<compile_context>
chip_gen: v7x
topology: tpu7x:2x2x1
jax: 0.10.2.dev20260603
libtpu: 0.0.44.dev20260713+nightly
codegen_flags: <defaults>
</compile_context>

<pallas_src>
import functools

import jax
import jax.numpy as jnp
from jax import lax
from jax.experimental import pallas as pl
from jax.experimental.pallas import tpu as pltpu
from jax.experimental.pallas import tpu_sc as plsc

NUM_FACTORS = 32
BATCH = 16384
NC, NS, L = 2, 16, 16
NW = NC * NS
BPW = BATCH // NW
CHUNK = 128
NCHUNK = BPW // CHUNK
NGROUP = BPW // L


def _rsqrt(x):
    i = lax.bitcast_convert_type(x, jnp.int32)
    y = lax.bitcast_convert_type(
        jnp.int32(0x5F3759DF) - lax.shift_right_logical(i, 1), jnp.float32)
    for _ in range(3):
        y = y * (1.5 - 0.5 * x * y * y)
    return y


def _sc_kernel(users_hbm, movies_hbm, utab_hbm, mtab_hbm, out_hbm,
               uidx, midx, urows, mrows, outv, sem):
    wid = lax.axis_index("s") * NC + lax.axis_index("c")
    base = wid * BPW

    for k in range(NCHUNK):
        pltpu.sync_copy(users_hbm.at[pl.ds(base + k * CHUNK, CHUNK)], uidx.at[k])
        pltpu.sync_copy(movies_hbm.at[pl.ds(base + k * CHUNK, CHUNK)], midx.at[k])

    handles = []
    for k in range(NCHUNK):
        handles.append(pltpu.async_copy(
            utab_hbm.at[uidx.at[k]], urows.at[pl.ds(k * CHUNK, CHUNK)], sem))
        handles.append(pltpu.async_copy(
            mtab_hbm.at[midx.at[k]], mrows.at[pl.ds(k * CHUNK, CHUNK)], sem))
    for h in handles:
        h.wait()

    iota = lax.iota(jnp.int32, L)
    zeros = jnp.zeros((L,), jnp.float32)

    def group_body(g, carry):
        rows = g * L + iota
        d, a2, b2 = zeros, zeros, zeros
        for j in range(NUM_FACTORS):
            cols = jnp.broadcast_to(jnp.int32(j), (L,))
            u = plsc.load_gather(urows, [rows, cols])
            m = plsc.load_gather(mrows, [rows, cols])
            d = d + u * m
            a2 = a2 + u * u
            b2 = b2 + m * m
        r = _rsqrt(a2 * b2)
        p2 = jnp.minimum(a2, 1.0) * jnp.minimum(b2, 1.0)
        pt = p2 * _rsqrt(p2)
        ratio = jnp.where(p2 < 1e-16, pt * 1e8, 1.0)
        outv[pl.ds(g * L, L)] = d * r * ratio * 2.0 + 3.0
        return carry

    lax.fori_loop(0, NGROUP, group_body, 0)
    pltpu.sync_copy(outv, out_hbm.at[pl.ds(base, BPW)])


@functools.partial(
    pl.kernel,
    mesh=plsc.VectorSubcoreMesh(core_axis_name="c", subcore_axis_name="s"),
    out_type=jax.ShapeDtypeStruct((BATCH,), jnp.float32),
    compiler_params=pltpu.CompilerParams(
        needs_layout_passes=False, use_tc_tiling_on_sc=False),
    scratch_types=[
        pltpu.VMEM((NCHUNK, CHUNK), jnp.int32),
        pltpu.VMEM((NCHUNK, CHUNK), jnp.int32),
        pltpu.VMEM((BPW, NUM_FACTORS), jnp.float32),
        pltpu.VMEM((BPW, NUM_FACTORS), jnp.float32),
        pltpu.VMEM((BPW,), jnp.float32),
        pltpu.SemaphoreType.DMA,
    ],
)
def _cosine_lookup(users, movies, utab, mtab, out, *scratch):
    _sc_kernel(users, movies, utab, mtab, out, *scratch)


def kernel(users, movies, user_table, movie_table):
    return _cosine_lookup(users.astype(jnp.int32), movies.astype(jnp.int32),
                          user_table, movie_table)

# --- scband reference (transcript-rebuilt; emitter-appended) ---
"""Pipeline reference for scband-matrix-factorization-19370302505034 (READ-ONLY COPY).

The authoritative reference and input builder live on the scoring server;
editing this copy changes nothing except your own understanding.
"""

import jax, jax.numpy as jnp
import numpy as np

NUM_USERS = 1000000
NUM_MOVIES = 1000000
NUM_FACTORS = 32
BATCH = 16384


def _renorm(emb, max_norm=1.0):
    # Mimic torch.nn.Embedding(max_norm=1): rows whose L2 norm exceeds max_norm
    # are rescaled to max_norm (torch uses norm + 1e-7 in the denominator).
    norm = jnp.linalg.norm(emb, axis=-1, keepdims=True)
    scale = max_norm / (norm + 1e-7)
    return jnp.where(norm > max_norm, emb * scale, emb)


def setup_inputs(seed: int = 0) -> dict:
    key = jax.random.key(seed)
    k1, k2, k3, k4 = jax.random.split(key, 4)
    users = jax.random.randint(k1, (BATCH,), 0, NUM_USERS)
    movies = jax.random.randint(k2, (BATCH,), 0, NUM_MOVIES)
    user_table = jax.random.uniform(k3, (NUM_USERS, NUM_FACTORS), minval=-0.25, maxval=0.25, dtype=jnp.float32)
    movie_table = jax.random.uniform(k4, (NUM_MOVIES, NUM_FACTORS), minval=-0.25, maxval=0.25, dtype=jnp.float32)
    return {"users": users, "movies": movies, "user_table": user_table, "movie_table": movie_table}


def reference(users, movies, user_table, movie_table):
    ue = _renorm(jnp.take(user_table, users, axis=0))
    me = _renorm(jnp.take(movie_table, movies, axis=0))
    # torch.nn.CosineSimilarity(dim=1, eps=1e-8)
    dot = jnp.sum(ue * me, axis=1)
    un = jnp.linalg.norm(ue, axis=1)
    mn = jnp.linalg.norm(me, axis=1)
    cos = dot / jnp.maximum(un * mn, 1e-8)
    return cos * 2.0 + 3.0

if __name__ == "__main__":
    import jax
    _d = setup_inputs()
    print(jax.jit(kernel)(*tuple(_d.values())))

</pallas_src>

<mosaic_0001>
#map = affine_map<(d0, d1) -> (0)>
#map1 = affine_map<(d0, d1) -> (0, 0)>
module attributes {stable_mosaic.version = 14 : i64} {
  func.func @_cosine_lookup(%arg0: i32, %arg1: i32, %arg2: memref<16384xi32, #tpu.memory_space<hbm>>, %arg3: memref<16384xi32, #tpu.memory_space<hbm>>, %arg4: memref<1000000x32xf32, #tpu.memory_space<hbm>>, %arg5: memref<1000000x32xf32, #tpu.memory_space<hbm>>, %arg6: memref<16384xf32, #tpu.memory_space<hbm>>, %arg7: memref<4x128xi32, #tpu.memory_space<vmem>>, %arg8: memref<4x128xi32, #tpu.memory_space<vmem>>, %arg9: memref<512x32xf32, #tpu.memory_space<vmem>>, %arg10: memref<512x32xf32, #tpu.memory_space<vmem>>, %arg11: memref<512xf32, #tpu.memory_space<vmem>>, %arg12: memref<!tpu.dma_semaphore, #tpu.memory_space<semaphore_mem>>) attributes {dimension_semantics = [#tpu.dimension_semantics<core_parallel>, #tpu.dimension_semantics<subcore_parallel>], iteration_bounds = array<i64: 2, 16>, scalar_prefetch = 0 : i64, scratch_operands = 6 : i64, tpu.core_type = #tpu.core_type<sc_vector_subcore>, window_params = [{transform_indices = #map}, {transform_indices = #map}, {transform_indices = #map1}, {transform_indices = #map1}, {transform_indices = #map}]} {
    %mul3A = arith.constant 2 : i32
    %mul3A_0 = arith.muli %arg1, %mul3A : i32
    %add3A = arith.addi %mul3A_0, %arg0 : i32
    %mul3A_1 = arith.constant 512 : i32
    %mul3A_2 = arith.muli %add3A, %mul3A_1 : i32
    %add3A_3 = arith.constant 0 : i32
    %add3A_4 = arith.addi %mul3A_2, %add3A_3 : i32
    %run_scoped3A = arith.constant 0 : i32
    "tpu.region"() ({
      %run_scoped3A_190 = tpu.sem_alloc : memref<!tpu.dma_semaphore, #tpu.memory_space<semaphore_mem>>
      %dma_start3A_191 = arith.constant 0 : i32
      %dma_start3A_192 = tpu.memref_slice %arg7[%run_scoped3A, %dma_start3A_191] : memref<4x128xi32, #tpu.memory_space<vmem>> -> memref<1x128xi32, #tpu.memory_space<vmem>>
      %dma_start3A_193 = tpu.memref_squeeze %dma_start3A_192 : memref<1x128xi32, #tpu.memory_space<vmem>> -> memref<128xi32, #tpu.memory_space<vmem>>
      %dma_start3A_194 = tpu.memref_slice %arg2[%add3A_4] : memref<16384xi32, #tpu.memory_space<hbm>> -> memref<128xi32, #tpu.memory_space<hbm>>
      %dma_start3A_195 = arith.constant 0 : i32
      %dma_start3A_196 = tpu.memref_slice %arg7[%run_scoped3A, %dma_start3A_195] : memref<4x128xi32, #tpu.memory_space<vmem>> -> memref<1x128xi32, #tpu.memory_space<vmem>>
      %dma_start3A_197 = tpu.memref_squeeze %dma_start3A_196 : memref<1x128xi32, #tpu.memory_space<vmem>> -> memref<128xi32, #tpu.memory_space<vmem>>
      %dma_start3A_198 = tpu.memref_slice %arg2[%add3A_4] : memref<16384xi32, #tpu.memory_space<hbm>> -> memref<128xi32, #tpu.memory_space<hbm>>
      tpu.enqueue_dma source(%dma_start3A_198 : memref<128xi32, #tpu.memory_space<hbm>>) target(%dma_start3A_197 : memref<128xi32, #tpu.memory_space<vmem>>) target_semaphore(%run_scoped3A_190 : memref<!tpu.dma_semaphore, #tpu.memory_space<semaphore_mem>>)
      %dma_wait3A_199 = arith.constant 0 : i32
      %dma_wait3A_200 = tpu.memref_slice %arg7[%run_scoped3A, %dma_wait3A_199] : memref<4x128xi32, #tpu.memory_space<vmem>> -> memref<1x128xi32, #tpu.memory_space<vmem>>
      %dma_wait3A_201 = tpu.memref_squeeze %dma_wait3A_200 : memref<1x128xi32, #tpu.memory_space<vmem>> -> memref<128xi32, #tpu.memory_space<vmem>>
      %dma_wait3A_202 = tpu.memref_slice %arg2[%add3A_4] : memref<16384xi32, #tpu.memory_space<hbm>> -> memref<128xi32, #tpu.memory_space<hbm>>
      %dma_wait3A_203 = arith.constant 0 : i32
      %dma_wait3A_204 = tpu.memref_slice %arg7[%run_scoped3A, %dma_wait3A_203] : memref<4x128xi32, #tpu.memory_space<vmem>> -> memref<1x128xi32, #tpu.memory_space<vmem>>
      %dma_wait3A_205 = tpu.memref_squeeze %dma_wait3A_204 : memref<1x128xi32, #tpu.memory_space<vmem>> -> memref<128xi32, #tpu.memory_space<vmem>>
      %dma_wait3A_206 = tpu.memref_slice %arg2[%add3A_4] : memref<16384xi32, #tpu.memory_space<hbm>> -> memref<128xi32, #tpu.memory_space<hbm>>
      tpu.wait_dma2 semaphore(%run_scoped3A_190 : memref<!tpu.dma_semaphore, #tpu.memory_space<semaphore_mem>>) src(%dma_wait3A_206 : memref<128xi32, #tpu.memory_space<hbm>>) dst(%dma_wait3A_205 : memref<128xi32, #tpu.memory_space<vmem>>)
      tpu.yield
    }) : () -> ()
    %add3A_5 = arith.constant 0 : i32
    %add3A_6 = arith.addi %mul3A_2, %add3A_5 : i32
    %run_scoped3A_7 = arith.constant 0 : i32
    "tpu.region"() ({
      %run_scoped3A_190 = tpu.sem_alloc : memref<!tpu.dma_semaphore, #tpu.memory_space<semaphore_mem>>
      %dma_start3A_191 = arith.constant 0 : i32
      %dma_start3A_192 = tpu.memref_slice %arg8[%run_scoped3A_7, %dma_start3A_191] : memref<4x128xi32, #tpu.memory_space<vmem>> -> memref<1x128xi32, #tpu.memory_space<vmem>>
      %dma_start3A_193 = tpu.memref_squeeze %dma_start3A_192 : memref<1x128xi32, #tpu.memory_space<vmem>> -> memref<128xi32, #tpu.memory_space<vmem>>
      %dma_start3A_194 = tpu.memref_slice %arg3[%add3A_6] : memref<16384xi32, #tpu.memory_space<hbm>> -> memref<128xi32, #tpu.memory_space<hbm>>
      %dma_start3A_195 = arith.constant 0 : i32
      %dma_start3A_196 = tpu.memref_slice %arg8[%run_scoped3A_7, %dma_start3A_195] : memref<4x128xi32, #tpu.memory_space<vmem>> -> memref<1x128xi32, #tpu.memory_space<vmem>>
      %dma_start3A_197 = tpu.memref_squeeze %dma_start3A_196 : memref<1x128xi32, #tpu.memory_space<vmem>> -> memref<128xi32, #tpu.memory_space<vmem>>
      %dma_start3A_198 = tpu.memref_slice %arg3[%add3A_6] : memref<16384xi32, #tpu.memory_space<hbm>> -> memref<128xi32, #tpu.memory_space<hbm>>
      tpu.enqueue_dma source(%dma_start3A_198 : memref<128xi32, #tpu.memory_space<hbm>>) target(%dma_start3A_197 : memref<128xi32, #tpu.memory_space<vmem>>) target_semaphore(%run_scoped3A_190 : memref<!tpu.dma_semaphore, #tpu.memory_space<semaphore_mem>>)
      %dma_wait3A_199 = arith.constant 0 : i32
      %dma_wait3A_200 = tpu.memref_slice %arg8[%run_scoped3A_7, %dma_wait3A_199] : memref<4x128xi32, #tpu.memory_space<vmem>> -> memref<1x128xi32, #tpu.memory_space<vmem>>
      %dma_wait3A_201 = tpu.memref_squeeze %dma_wait3A_200 : memref<1x128xi32, #tpu.memory_space<vmem>> -> memref<128xi32, #tpu.memory_space<vmem>>
      %dma_wait3A_202 = tpu.memref_slice %arg3[%add3A_6] : memref<16384xi32, #tpu.memory_space<hbm>> -> memref<128xi32, #tpu.memory_space<hbm>>
      %dma_wait3A_203 = arith.constant 0 : i32
      %dma_wait3A_204 = tpu.memref_slice %arg8[%run_scoped3A_7, %dma_wait3A_203] : memref<4x128xi32, #tpu.memory_space<vmem>> -> memref<1x128xi32, #tpu.memory_space<vmem>>
      %dma_wait3A_205 = tpu.memref_squeeze %dma_wait3A_204 : memref<1x128xi32, #tpu.memory_space<vmem>> -> memref<128xi32, #tpu.memory_space<vmem>>
      %dma_wait3A_206 = tpu.memref_slice %arg3[%add3A_6] : memref<16384xi32, #tpu.memory_space<hbm>> -> memref<128xi32, #tpu.memory_space<hbm>>
      tpu.wait_dma2 semaphore(%run_scoped3A_190 : memref<!tpu.dma_semaphore, #tpu.memory_space<semaphore_mem>>) src(%dma_wait3A_206 : memref<128xi32, #tpu.memory_space<hbm>>) dst(%dma_wait3A_205 : memref<128xi32, #tpu.memory_space<vmem>>)
      tpu.yield
    }) : () -> ()
    %add3A_8 = arith.constant 128 : i32
    %add3A_9 = arith.addi %mul3A_2, %add3A_8 : i32
    %run_scoped3A_10 = arith.constant 1 : i32
    "tpu.region"() ({
      %run_scoped3A_190 = tpu.sem_alloc : memref<!tpu.dma_semaphore, #tpu.memory_space<semaphore_mem>>
      %dma_start3A_191 = arith.constant 0 : i32
      %dma_start3A_192 = tpu.memref_slice %arg7[%run_scoped3A_10, %dma_start3A_191] : memref<4x128xi32, #tpu.memory_space<vmem>> -> memref<1x128xi32, #tpu.memory_space<vmem>>
      %dma_start3A_193 = tpu.memref_squeeze %dma_start3A_192 : memref<1x128xi32, #tpu.memory_space<vmem>> -> memref<128xi32, #tpu.memory_space<vmem>>
      %dma_start3A_194 = tpu.memref_slice %arg2[%add3A_9] : memref<16384xi32, #tpu.memory_space<hbm>> -> memref<128xi32, #tpu.memory_space<hbm>>
      %dma_start3A_195 = arith.constant 0 : i32
      %dma_start3A_196 = tpu.memref_slice %arg7[%run_scoped3A_10, %dma_start3A_195] : memref<4x128xi32, #tpu.memory_space<vmem>> -> memref<1x128xi32, #tpu.memory_space<vmem>>
      %dma_start3A_197 = tpu.memref_squeeze %dma_start3A_196 : memref<1x128xi32, #tpu.memory_space<vmem>> -> memref<128xi32, #tpu.memory_space<vmem>>
      %dma_start3A_198 = tpu.memref_slice %arg2[%add3A_9] : memref<16384xi32, #tpu.memory_space<hbm>> -> memref<128xi32, #tpu.memory_space<hbm>>
      tpu.enqueue_dma source(%dma_start3A_198 : memref<128xi32, #tpu.memory_space<hbm>>) target(%dma_start3A_197 : memref<128xi32, #tpu.memory_space<vmem>>) target_semaphore(%run_scoped3A_190 : memref<!tpu.dma_semaphore, #tpu.memory_space<semaphore_mem>>)
      %dma_wait3A_199 = arith.constant 0 : i32
      %dma_wait3A_200 = tpu.memref_slice %arg7[%run_scoped3A_10, %dma_wait3A_199] : memref<4x128xi32, #tpu.memory_space<vmem>> -> memref<1x128xi32, #tpu.memory_space<vmem>>
      %dma_wait3A_201 = tpu.memref_squeeze %dma_wait3A_200 : memref<1x128xi32, #tpu.memory_space<vmem>> -> memref<128xi32, #tpu.memory_space<vmem>>
      %dma_wait3A_202 = tpu.memref_slice %arg2[%add3A_9] : memref<16384xi32, #tpu.memory_space<hbm>> -> memref<128xi32, #tpu.memory_space<hbm>>
      %dma_wait3A_203 = arith.constant 0 : i32
      %dma_wait3A_204 = tpu.memref_slice %arg7[%run_scoped3A_10, %dma_wait3A_203] : memref<4x128xi32, #tpu.memory_space<vmem>> -> memref<1x128xi32, #tpu.memory_space<vmem>>
      %dma_wait3A_205 = tpu.memref_squeeze %dma_wait3A_204 : memref<1x128xi32, #tpu.memory_space<vmem>> -> memref<128xi32, #tpu.memory_space<vmem>>
      %dma_wait3A_206 = tpu.memref_slice %arg2[%add3A_9] : memref<16384xi32, #tpu.memory_space<hbm>> -> memref<128xi32, #tpu.memory_space<hbm>>
      tpu.wait_dma2 semaphore(%run_scoped3A_190 : memref<!tpu.dma_semaphore, #tpu.memory_space<semaphore_mem>>) src(%dma_wait3A_206 : memref<128xi32, #tpu.memory_space<hbm>>) dst(%dma_wait3A_205 : memref<128xi32, #tpu.memory_space<vmem>>)
      tpu.yield
    }) : () -> ()
    %add3A_11 = arith.constant 128 : i32
    %add3A_12 = arith.addi %mul3A_2, %add3A_11 : i32
    %run_scoped3A_13 = arith.constant 1 : i32
    "tpu.region"() ({
      %run_scoped3A_190 = tpu.sem_alloc : memref<!tpu.dma_semaphore, #tpu.memory_space<semaphore_mem>>
      %dma_start3A_191 = arith.constant 0 : i32
      %dma_start3A_192 = tpu.memref_slice %arg8[%run_scoped3A_13, %dma_start3A_191] : memref<4x128xi32, #tpu.memory_space<vmem>> -> memref<1x128xi32, #tpu.memory_space<vmem>>
      %dma_start3A_193 = tpu.memref_squeeze %dma_start3A_192 : memref<1x128xi32, #tpu.memory_space<vmem>> -> memref<128xi32, #tpu.memory_space<vmem>>
      %dma_start3A_194 = tpu.memref_slice %arg3[%add3A_12] : memref<16384xi32, #tpu.memory_space<hbm>> -> memref<128xi32, #tpu.memory_space<hbm>>
      %dma_start3A_195 = arith.constant 0 : i32
      %dma_start3A_196 = tpu.memref_slice %arg8[%run_scoped3A_13, %dma_start3A_195] : memref<4x128xi32, #tpu.memory_space<vmem>> -> memref<1x128xi32, #tpu.memory_space<vmem>>
      %dma_start3A_197 = tpu.memref_squeeze %dma_start3A_196 : memref<1x128xi32, #tpu.memory_space<vmem>> -> memref<128xi32, #tpu.memory_space<vmem>>
      %dma_start3A_198 = tpu.memref_slice %arg3[%add3A_12] : memref<16384xi32, #tpu.memory_space<hbm>> -> memref<128xi32, #tpu.memory_space<hbm>>
      tpu.enqueue_dma source(%dma_start3A_198 : memref<128xi32, #tpu.memory_space<hbm>>) target(%dma_start3A_197 : memref<128xi32, #tpu.memory_space<vmem>>) target_semaphore(%run_scoped3A_190 : memref<!tpu.dma_semaphore, #tpu.memory_space<semaphore_mem>>)
      %dma_wait3A_199 = arith.constant 0 : i32
      %dma_wait3A_200 = tpu.memref_slice %arg8[%run_scoped3A_13, %dma_wait3A_199] : memref<4x128xi32, #tpu.memory_space<vmem>> -> memref<1x128xi32, #tpu.memory_space<vmem>>
      %dma_wait3A_201 = tpu.memref_squeeze %dma_wait3A_200 : memref<1x128xi32, #tpu.memory_space<vmem>> -> memref<128xi32, #tpu.memory_space<vmem>>
      %dma_wait3A_202 = tpu.memref_slice %arg3[%add3A_12] : memref<16384xi32, #tpu.memory_space<hbm>> -> memref<128xi32, #tpu.memory_space<hbm>>
      %dma_wait3A_203 = arith.constant 0 : i32
      %dma_wait3A_204 = tpu.memref_slice %arg8[%run_scoped3A_13, %dma_wait3A_203] : memref<4x128xi32, #tpu.memory_space<vmem>> -> memref<1x128xi32, #tpu.memory_space<vmem>>
      %dma_wait3A_205 = tpu.memref_squeeze %dma_wait3A_204 : memref<1x128xi32, #tpu.memory_space<vmem>> -> memref<128xi32, #tpu.memory_space<vmem>>
      %dma_wait3A_206 = tpu.memref_slice %arg3[%add3A_12] : memref<16384xi32, #tpu.memory_space<hbm>> -> memref<128xi32, #tpu.memory_space<hbm>>
      tpu.wait_dma2 semaphore(%run_scoped3A_190 : memref<!tpu.dma_semaphore, #tpu.memory_space<semaphore_mem>>) src(%dma_wait3A_206 : memref<128xi32, #tpu.memory_space<hbm>>) dst(%dma_wait3A_205 : memref<128xi32, #tpu.memory_space<vmem>>)
      tpu.yield
    }) : () -> ()
    %add3A_14 = arith.constant 256 : i32
    %add3A_15 = arith.addi %mul3A_2, %add3A_14 : i32
    %run_scoped3A_16 = arith.constant 2 : i32
    "tpu.region"() ({
      %run_scoped3A_190 = tpu.sem_alloc : memref<!tpu.dma_semaphore, #tpu.memory_space<semaphore_mem>>
      %dma_start3A_191 = arith.constant 0 : i32
      %dma_start3A_192 = tpu.memref_slice %arg7[%run_scoped3A_16, %dma_start3A_191] : memref<4x128xi32, #tpu.memory_space<vmem>> -> memref<1x128xi32, #tpu.memory_space<vmem>>
      %dma_start3A_193 = tpu.memref_squeeze %dma_start3A_192 : memref<1x128xi32, #tpu.memory_space<vmem>> -> memref<128xi32, #tpu.memory_space<vmem>>
      %dma_start3A_194 = tpu.memref_slice %arg2[%add3A_15] : memref<16384xi32, #tpu.memory_space<hbm>> -> memref<128xi32, #tpu.memory_space<hbm>>
      %dma_start3A_195 = arith.constant 0 : i32
      %dma_start3A_196 = tpu.memref_slice %arg7[%run_scoped3A_16, %dma_start3A_195] : memref<4x128xi32, #tpu.memory_space<vmem>> -> memref<1x128xi32, #tpu.memory_space<vmem>>
      %dma_start3A_197 = tpu.memref_squeeze %dma_start3A_196 : memref<1x128xi32, #tpu.memory_space<vmem>> -> memref<128xi32, #tpu.memory_space<vmem>>
      %dma_start3A_198 = tpu.memref_slice %arg2[%add3A_15] : memref<16384xi32, #tpu.memory_space<hbm>> -> memref<128xi32, #tpu.memory_space<hbm>>
      tpu.enqueue_dma source(%dma_start3A_198 : memref<128xi32, #tpu.memory_space<hbm>>) target(%dma_start3A_197 : memref<128xi32, #tpu.memory_space<vmem>>) target_semaphore(%run_scoped3A_190 : memref<!tpu.dma_semaphore, #tpu.memory_space<semaphore_mem>>)
      %dma_wait3A_199 = arith.constant 0 : i32
      %dma_wait3A_200 = tpu.memref_slice %arg7[%run_scoped3A_16, %dma_wait3A_199] : memref<4x128xi32, #tpu.memory_space<vmem>> -> memref<1x128xi32, #tpu.memory_space<vmem>>
      %dma_wait3A_201 = tpu.memref_squeeze %dma_wait3A_200 : memref<1x128xi32, #tpu.memory_space<vmem>> -> memref<128xi32, #tpu.memory_space<vmem>>
      %dma_wait3A_202 = tpu.memref_slice %arg2[%add3A_15] : memref<16384xi32, #tpu.memory_space<hbm>> -> memref<128xi32, #tpu.memory_space<hbm>>
      %dma_wait3A_203 = arith.constant 0 : i32
      %dma_wait3A_204 = tpu.memref_slice %arg7[%run_scoped3A_16, %dma_wait3A_203] : memref<4x128xi32, #tpu.memory_space<vmem>> -> memref<1x128xi32, #tpu.memory_space<vmem>>
      %dma_wait3A_205 = tpu.memref_squeeze %dma_wait3A_204 : memref<1x128xi32, #tpu.memory_space<vmem>> -> memref<128xi32, #tpu.memory_space<vmem>>
      %dma_wait3A_206 = tpu.memref_slice %arg2[%add3A_15] : memref<16384xi32, #tpu.memory_space<hbm>> -> memref<128xi32, #tpu.memory_space<hbm>>
      tpu.wait_dma2 semaphore(%run_scoped3A_190 : memref<!tpu.dma_semaphore, #tpu.memory_space<semaphore_mem>>) src(%dma_wait3A_206 : memref<128xi32, #tpu.memory_space<hbm>>) dst(%dma_wait3A_205 : memref<128xi32, #tpu.memory_space<vmem>>)
      tpu.yield
    }) : () -> ()
    %add3A_17 = arith.constant 256 : i32
    %add3A_18 = arith.addi %mul3A_2, %add3A_17 : i32
    %run_scoped3A_19 = arith.constant 2 : i32
    "tpu.region"() ({
      %run_scoped3A_190 = tpu.sem_alloc : memref<!tpu.dma_semaphore, #tpu.memory_space<semaphore_mem>>
      %dma_start3A_191 = arith.constant 0 : i32
      %dma_start3A_192 = tpu.memref_slice %arg8[%run_scoped3A_19, %dma_start3A_191] : memref<4x128xi32, #tpu.memory_space<vmem>> -> memref<1x128xi32, #tpu.memory_space<vmem>>
      %dma_start3A_193 = tpu.memref_squeeze %dma_start3A_192 : memref<1x128xi32, #tpu.memory_space<vmem>> -> memref<128xi32, #tpu.memory_space<vmem>>
      %dma_start3A_194 = tpu.memref_slice %arg3[%add3A_18] : memref<16384xi32, #tpu.memory_space<hbm>> -> memref<128xi32, #tpu.memory_space<hbm>>
      %dma_start3A_195 = arith.constant 0 : i32
      %dma_start3A_196 = tpu.memref_slice %arg8[%run_scoped3A_19, %dma_start3A_195] : memref<4x128xi32, #tpu.memory_space<vmem>> -> memref<1x128xi32, #tpu.memory_space<vmem>>
      %dma_start3A_197 = tpu.memref_squeeze %dma_start3A_196 : memref<1x128xi32, #tpu.memory_space<vmem>> -> memref<128xi32, #tpu.memory_space<vmem>>
      %dma_start3A_198 = tpu.memref_slice %arg3[%add3A_18] : memref<16384xi32, #tpu.memory_space<hbm>> -> memref<128xi32, #tpu.memory_space<hbm>>
      tpu.enqueue_dma source(%dma_start3A_198 : memref<128xi32, #tpu.memory_space<hbm>>) target(%dma_start3A_197 : memref<128xi32, #tpu.memory_space<vmem>>) target_semaphore(%run_scoped3A_190 : memref<!tpu.dma_semaphore, #tpu.memory_space<semaphore_mem>>)
      %dma_wait3A_199 = arith.constant 0 : i32
      %dma_wait3A_200 = tpu.memref_slice %arg8[%run_scoped3A_19, %dma_wait3A_199] : memref<4x128xi32, #tpu.memory_space<vmem>> -> memref<1x128xi32, #tpu.memory_space<vmem>>
      %dma_wait3A_201 = tpu.memref_squeeze %dma_wait3A_200 : memref<1x128xi32, #tpu.memory_space<vmem>> -> memref<128xi32, #tpu.memory_space<vmem>>
      %dma_wait3A_202 = tpu.memref_slice %arg3[%add3A_18] : memref<16384xi32, #tpu.memory_space<hbm>> -> memref<128xi32, #tpu.memory_space<hbm>>
      %dma_wait3A_203 = arith.constant 0 : i32
      %dma_wait3A_204 = tpu.memref_slice %arg8[%run_scoped3A_19, %dma_wait3A_203] : memref<4x128xi32, #tpu.memory_space<vmem>> -> memref<1x128xi32, #tpu.memory_space<vmem>>
      %dma_wait3A_205 = tpu.memref_squeeze %dma_wait3A_204 : memref<1x128xi32, #tpu.memory_space<vmem>> -> memref<128xi32, #tpu.memory_space<vmem>>
      %dma_wait3A_206 = tpu.memref_slice %arg3[%add3A_18] : memref<16384xi32, #tpu.memory_space<hbm>> -> memref<128xi32, #tpu.memory_space<hbm>>
      tpu.wait_dma2 semaphore(%run_scoped3A_190 : memref<!tpu.dma_semaphore, #tpu.memory_space<semaphore_mem>>) src(%dma_wait3A_206 : memref<128xi32, #tpu.memory_space<hbm>>) dst(%dma_wait3A_205 : memref<128xi32, #tpu.memory_space<vmem>>)
      tpu.yield
    }) : () -> ()
    %add3A_20 = arith.constant 384 : i32
    %add3A_21 = arith.addi %mul3A_2, %add3A_20 : i32
    %run_scoped3A_22 = arith.constant 3 : i32
    "tpu.region"() ({
      %run_scoped3A_190 = tpu.sem_alloc : memref<!tpu.dma_semaphore, #tpu.memory_space<semaphore_mem>>
      %dma_start3A_191 = arith.constant 0 : i32
      %dma_start3A_192 = tpu.memref_slice %arg7[%run_scoped3A_22, %dma_start3A_191] : memref<4x128xi32, #tpu.memory_space<vmem>> -> memref<1x128xi32, #tpu.memory_space<vmem>>
      %dma_start3A_193 = tpu.memref_squeeze %dma_start3A_192 : memref<1x128xi32, #tpu.memory_space<vmem>> -> memref<128xi32, #tpu.memory_space<vmem>>
      %dma_start3A_194 = tpu.memref_slice %arg2[%add3A_21] : memref<16384xi32, #tpu.memory_space<hbm>> -> memref<128xi32, #tpu.memory_space<hbm>>
      %dma_start3A_195 = arith.constant 0 : i32
      %dma_start3A_196 = tpu.memref_slice %arg7[%run_scoped3A_22, %dma_start3A_195] : memref<4x128xi32, #tpu.memory_space<vmem>> -> memref<1x128xi32, #tpu.memory_space<vmem>>
      %dma_start3A_197 = tpu.memref_squeeze %dma_start3A_196 : memref<1x128xi32, #tpu.memory_space<vmem>> -> memref<128xi32, #tpu.memory_space<vmem>>
      %dma_start3A_198 = tpu.memref_slice %arg2[%add3A_21] : memref<16384xi32, #tpu.memory_space<hbm>> -> memref<128xi32, #tpu.memory_space<hbm>>
      tpu.enqueue_dma source(%dma_start3A_198 : memref<128xi32, #tpu.memory_space<hbm>>) target(%dma_start3A_197 : memref<128xi32, #tpu.memory_space<vmem>>) target_semaphore(%run_scoped3A_190 : memref<!tpu.dma_semaphore, #tpu.memory_space<semaphore_mem>>)
      %dma_wait3A_199 = arith.constant 0 : i32
      %dma_wait3A_200 = tpu.memref_slice %arg7[%run_scoped3A_22, %dma_wait3A_199] : memref<4x128xi32, #tpu.memory_space<vmem>> -> memref<1x128xi32, #tpu.memory_space<vmem>>
      %dma_wait3A_201 = tpu.memref_squeeze %dma_wait3A_200 : memref<1x128xi32, #tpu.memory_space<vmem>> -> memref<128xi32, #tpu.memory_space<vmem>>
      %dma_wait3A_202 = tpu.memref_slice %arg2[%add3A_21] : memref<16384xi32, #tpu.memory_space<hbm>> -> memref<128xi32, #tpu.memory_space<hbm>>
      %dma_wait3A_203 = arith.constant 0 : i32
      %dma_wait3A_204 = tpu.memref_slice %arg7[%run_scoped3A_22, %dma_wait3A_203] : memref<4x128xi32, #tpu.memory_space<vmem>> -> memref<1x128xi32, #tpu.memory_space<vmem>>
      %dma_wait3A_205 = tpu.memref_squeeze %dma_wait3A_204 : memref<1x128xi32, #tpu.memory_space<vmem>> -> memref<128xi32, #tpu.memory_space<vmem>>
      %dma_wait3A_206 = tpu.memref_slice %arg2[%add3A_21] : memref<16384xi32, #tpu.memory_space<hbm>> -> memref<128xi32, #tpu.memory_space<hbm>>
      tpu.wait_dma2 semaphore(%run_scoped3A_190 : memref<!tpu.dma_semaphore, #tpu.memory_space<semaphore_mem>>) src(%dma_wait3A_206 : memref<128xi32, #tpu.memory_space<hbm>>) dst(%dma_wait3A_205 : memref<128xi32, #tpu.memory_space<vmem>>)
      tpu.yield
    }) : () -> ()
    %add3A_23 = arith.constant 384 : i32
    %add3A_24 = arith.addi %mul3A_2, %add3A_23 : i32
    %run_scoped3A_25 = arith.constant 3 : i32
    "tpu.region"() ({
      %run_scoped3A_190 = tpu.sem_alloc : memref<!tpu.dma_semaphore, #tpu.memory_space<semaphore_mem>>
      %dma_start3A_191 = arith.constant 0 : i32
      %dma_start3A_192 = tpu.memref_slice %arg8[%run_scoped3A_25, %dma_start3A_191] : memref<4x128xi32, #tpu.memory_space<vmem>> -> memref<1x128xi32, #tpu.memory_space<vmem>>
      %dma_start3A_193 = tpu.memref_squeeze %dma_start3A_192 : memref<1x128xi32, #tpu.memory_space<vmem>> -> memref<128xi32, #tpu.memory_space<vmem>>
      %dma_start3A_194 = tpu.memref_slice %arg3[%add3A_24] : memref<16384xi32, #tpu.memory_space<hbm>> -> memref<128xi32, #tpu.memory_space<hbm>>
      %dma_start3A_195 = arith.constant 0 : i32
      %dma_start3A_196 = tpu.memref_slice %arg8[%run_scoped3A_25, %dma_start3A_195] : memref<4x128xi32, #tpu.memory_space<vmem>> -> memref<1x128xi32, #tpu.memory_space<vmem>>
      %dma_start3A_197 = tpu.memref_squeeze %dma_start3A_196 : memref<1x128xi32, #tpu.memory_space<vmem>> -> memref<128xi32, #tpu.memory_space<vmem>>
      %dma_start3A_198 = tpu.memref_slice %arg3[%add3A_24] : memref<16384xi32, #tpu.memory_space<hbm>> -> memref<128xi32, #tpu.memory_space<hbm>>
      tpu.enqueue_dma source(%dma_start3A_198 : memref<128xi32, #tpu.memory_space<hbm>>) target(%dma_start3A_197 : memref<128xi32, #tpu.memory_space<vmem>>) target_semaphore(%run_scoped3A_190 : memref<!tpu.dma_semaphore, #tpu.memory_space<semaphore_mem>>)
      %dma_wait3A_199 = arith.constant 0 : i32
      %dma_wait3A_200 = tpu.memref_slice %arg8[%run_scoped3A_25, %dma_wait3A_199] : memref<4x128xi32, #tpu.memory_space<vmem>> -> memref<1x128xi32, #tpu.memory_space<vmem>>
      %dma_wait3A_201 = tpu.memref_squeeze %dma_wait3A_200 : memref<1x128xi32, #tpu.memory_space<vmem>> -> memref<128xi32, #tpu.memory_space<vmem>>
      %dma_wait3A_202 = tpu.memref_slice %arg3[%add3A_24] : memref<16384xi32, #tpu.memory_space<hbm>> -> memref<128xi32, #tpu.memory_space<hbm>>
      %dma_wait3A_203 = arith.constant 0 : i32
      %dma_wait3A_204 = tpu.memref_slice %arg8[%run_scoped3A_25, %dma_wait3A_203] : memref<4x128xi32, #tpu.memory_space<vmem>> -> memref<1x128xi32, #tpu.memory_space<vmem>>
      %dma_wait3A_205 = tpu.memref_squeeze %dma_wait3A_204 : memref<1x128xi32, #tpu.memory_space<vmem>> -> memref<128xi32, #tpu.memory_space<vmem>>
      %dma_wait3A_206 = tpu.memref_slice %arg3[%add3A_24] : memref<16384xi32, #tpu.memory_space<hbm>> -> memref<128xi32, #tpu.memory_space<hbm>>
      tpu.wait_dma2 semaphore(%run_scoped3A_190 : memref<!tpu.dma_semaphore, #tpu.memory_space<semaphore_mem>>) src(%dma_wait3A_206 : memref<128xi32, #tpu.memory_space<hbm>>) dst(%dma_wait3A_205 : memref<128xi32, #tpu.memory_space<vmem>>)
      tpu.yield
    }) : () -> ()
    %dma_start3A = arith.constant 0 : i32
    %dma_start3A_26 = arith.constant 0 : i32
    %dma_start3A_27 = arith.constant 0 : i32
    %dma_start3A_28 = tpu.memref_slice %arg9[%dma_start3A_26, %dma_start3A_27] : memref<512x32xf32, #tpu.memory_space<vmem>> -> memref<128x32xf32, #tpu.memory_space<vmem>>
    %dma_start3A_29 = arith.constant 0 : i32
    %dma_start3A_30 = tpu.memref_slice %arg7[%dma_start3A, %dma_start3A_29] : memref<4x128xi32, #tpu.memory_space<vmem>> -> memref<1x128xi32, #tpu.memory_space<vmem>>
    %dma_start3A_31 = tpu.memref_squeeze %dma_start3A_30 : memref<1x128xi32, #tpu.memory_space<vmem>> -> memref<128xi32, #tpu.memory_space<vmem>>
    %dma_start3A_32 = arith.constant 0 : i32
    %dma_start3A_33 = arith.constant 0 : i32
    %dma_start3A_34 = tpu.memref_slice %arg4[%dma_start3A_32, %dma_start3A_33] : memref<1000000x32xf32, #tpu.memory_space<hbm>> -> memref<1000000x32xf32, #tpu.memory_space<hbm>>
    tpu.enqueue_indirect_dma source(%dma_start3A_34 : memref<1000000x32xf32, #tpu.memory_space<hbm>>) target(%dma_start3A_28 : memref<128x32xf32, #tpu.memory_space<vmem>>) offsets(%dma_start3A_31 : memref<128xi32, #tpu.memory_space<vmem>>) semaphore(%arg12 : memref<!tpu.dma_semaphore, #tpu.memory_space<semaphore_mem>>)
    %dma_start3A_35 = arith.constant 0 : i32
    %dma_start3A_36 = arith.constant 0 : i32
    %dma_start3A_37 = arith.constant 0 : i32
    %dma_start3A_38 = tpu.memref_slice %arg10[%dma_start3A_36, %dma_start3A_37] : memref<512x32xf32, #tpu.memory_space<vmem>> -> memref<128x32xf32, #tpu.memory_space<vmem>>
    %dma_start3A_39 = arith.constant 0 : i32
    %dma_start3A_40 = tpu.memref_slice %arg8[%dma_start3A_35, %dma_start3A_39] : memref<4x128xi32, #tpu.memory_space<vmem>> -> memref<1x128xi32, #tpu.memory_space<vmem>>
    %dma_start3A_41 = tpu.memref_squeeze %dma_start3A_40 : memref<1x128xi32, #tpu.memory_space<vmem>> -> memref<128xi32, #tpu.memory_space<vmem>>
    %dma_start3A_42 = arith.constant 0 : i32
    %dma_start3A_43 = arith.constant 0 : i32
    %dma_start3A_44 = tpu.memref_slice %arg5[%dma_start3A_42, %dma_start3A_43] : memref<1000000x32xf32, #tpu.memory_space<hbm>> -> memref<1000000x32xf32, #tpu.memory_space<hbm>>
    tpu.enqueue_indirect_dma source(%dma_start3A_44 : memref<1000000x32xf32, #tpu.memory_space<hbm>>) target(%dma_start3A_38 : memref<128x32xf32, #tpu.memory_space<vmem>>) offsets(%dma_start3A_41 : memref<128xi32, #tpu.memory_space<vmem>>) semaphore(%arg12 : memref<!tpu.dma_semaphore, #tpu.memory_space<semaphore_mem>>)
    %dma_start3A_45 = arith.constant 1 : i32
    %dma_start3A_46 = arith.constant 128 : i32
    %dma_start3A_47 = arith.constant 0 : i32
    %dma_start3A_48 = tpu.memref_slice %arg9[%dma_start3A_46, %dma_start3A_47] : memref<512x32xf32, #tpu.memory_space<vmem>> -> memref<128x32xf32, #tpu.memory_space<vmem>>
    %dma_start3A_49 = arith.constant 0 : i32
    %dma_start3A_50 = tpu.memref_slice %arg7[%dma_start3A_45, %dma_start3A_49] : memref<4x128xi32, #tpu.memory_space<vmem>> -> memref<1x128xi32, #tpu.memory_space<vmem>>
    %dma_start3A_51 = tpu.memref_squeeze %dma_start3A_50 : memref<1x128xi32, #tpu.memory_space<vmem>> -> memref<128xi32, #tpu.memory_space<vmem>>
    %dma_start3A_52 = arith.constant 0 : i32
    %dma_start3A_53 = arith.constant 0 : i32
    %dma_start3A_54 = tpu.memref_slice %arg4[%dma_start3A_52, %dma_start3A_53] : memref<1000000x32xf32, #tpu.memory_space<hbm>> -> memref<1000000x32xf32, #tpu.memory_space<hbm>>
    tpu.enqueue_indirect_dma source(%dma_start3A_54 : memref<1000000x32xf32, #tpu.memory_space<hbm>>) target(%dma_start3A_48 : memref<128x32xf32, #tpu.memory_space<vmem>>) offsets(%dma_start3A_51 : memref<128xi32, #tpu.memory_space<vmem>>) semaphore(%arg12 : memref<!tpu.dma_semaphore, #tpu.memory_space<semaphore_mem>>)
    %dma_start3A_55 = arith.constant 1 : i32
    %dma_start3A_56 = arith.constant 128 : i32
    %dma_start3A_57 = arith.constant 0 : i32
    %dma_start3A_58 = tpu.memref_slice %arg10[%dma_start3A_56, %dma_start3A_57] : memref<512x32xf32, #tpu.memory_space<vmem>> -> memref<128x32xf32, #tpu.memory_space<vmem>>
    %dma_start3A_59 = arith.constant 0 : i32
    %dma_start3A_60 = tpu.memref_slice %arg8[%dma_start3A_55, %dma_start3A_59] : memref<4x128xi32, #tpu.memory_space<vmem>> -> memref<1x128xi32, #tpu.memory_space<vmem>>
    %dma_start3A_61 = tpu.memref_squeeze %dma_start3A_60 : memref<1x128xi32, #tpu.memory_space<vmem>> -> memref<128xi32, #tpu.memory_space<vmem>>
    %dma_start3A_62 = arith.constant 0 : i32
    %dma_start3A_63 = arith.constant 0 : i32
    %dma_start3A_64 = tpu.memref_slice %arg5[%dma_start3A_62, %dma_start3A_63] : memref<1000000x32xf32, #tpu.memory_space<hbm>> -> memref<1000000x32xf32, #tpu.memory_space<hbm>>
    tpu.enqueue_indirect_dma source(%dma_start3A_64 : memref<1000000x32xf32, #tpu.memory_space<hbm>>) target(%dma_start3A_58 : memref<128x32xf32, #tpu.memory_space<vmem>>) offsets(%dma_start3A_61 : memref<128xi32, #tpu.memory_space<vmem>>) semaphore(%arg12 : memref<!tpu.dma_semaphore, #tpu.memory_space<semaphore_mem>>)
    %dma_start3A_65 = arith.constant 2 : i32
    %dma_start3A_66 = arith.constant 256 : i32
    %dma_start3A_67 = arith.constant 0 : i32
    %dma_start3A_68 = tpu.memref_slice %arg9[%dma_start3A_66, %dma_start3A_67] : memref<512x32xf32, #tpu.memory_space<vmem>> -> memref<128x32xf32, #tpu.memory_space<vmem>>
    %dma_start3A_69 = arith.constant 0 : i32
    %dma_start3A_70 = tpu.memref_slice %arg7[%dma_start3A_65, %dma_start3A_69] : memref<4x128xi32, #tpu.memory_space<vmem>> -> memref<1x128xi32, #tpu.memory_space<vmem>>
    %dma_start3A_71 = tpu.memref_squeeze %dma_start3A_70 : memref<1x128xi32, #tpu.memory_space<vmem>> -> memref<128xi32, #tpu.memory_space<vmem>>
    %dma_start3A_72 = arith.constant 0 : i32
    %dma_start3A_73 = arith.constant 0 : i32
    %dma_start3A_74 = tpu.memref_slice %arg4[%dma_start3A_72, %dma_start3A_73] : memref<1000000x32xf32, #tpu.memory_space<hbm>> -> memref<1000000x32xf32, #tpu.memory_space<hbm>>
    tpu.enqueue_indirect_dma source(%dma_start3A_74 : memref<1000000x32xf32, #tpu.memory_space<hbm>>) target(%dma_start3A_68 : memref<128x32xf32, #tpu.memory_space<vmem>>) offsets(%dma_start3A_71 : memref<128xi32, #tpu.memory_space<vmem>>) semaphore(%arg12 : memref<!tpu.dma_semaphore, #tpu.memory_space<semaphore_mem>>)
    %dma_start3A_75 = arith.constant 2 : i32
    %dma_start3A_76 = arith.constant 256 : i32
    %dma_start3A_77 = arith.constant 0 : i32
    %dma_start3A_78 = tpu.memref_slice %arg10[%dma_start3A_76, %dma_start3A_77] : memref<512x32xf32, #tpu.memory_space<vmem>> -> memref<128x32xf32, #tpu.memory_space<vmem>>
    %dma_start3A_79 = arith.constant 0 : i32
    %dma_start3A_80 = tpu.memref_slice %arg8[%dma_start3A_75, %dma_start3A_79] : memref<4x128xi32, #tpu.memory_space<vmem>> -> memref<1x128xi32, #tpu.memory_space<vmem>>
    %dma_start3A_81 = tpu.memref_squeeze %dma_start3A_80 : memref<1x128xi32, #tpu.memory_space<vmem>> -> memref<128xi32, #tpu.memory_space<vmem>>
    %dma_start3A_82 = arith.constant 0 : i32
    %dma_start3A_83 = arith.constant 0 : i32
    %dma_start3A_84 = tpu.memref_slice %arg5[%dma_start3A_82, %dma_start3A_83] : memref<1000000x32xf32, #tpu.memory_space<hbm>> -> memref<1000000x32xf32, #tpu.memory_space<hbm>>
    tpu.enqueue_indirect_dma source(%dma_start3A_84 : memref<1000000x32xf32, #tpu.memory_space<hbm>>) target(%dma_start3A_78 : memref<128x32xf32, #tpu.memory_space<vmem>>) offsets(%dma_start3A_81 : memref<128xi32, #tpu.memory_space<vmem>>) semaphore(%arg12 : memref<!tpu.dma_semaphore, #tpu.memory_space<semaphore_mem>>)
    %dma_start3A_85 = arith.constant 3 : i32
    %dma_start3A_86 = arith.constant 384 : i32
    %dma_start3A_87 = arith.constant 0 : i32
    %dma_start3A_88 = tpu.memref_slice %arg9[%dma_start3A_86, %dma_start3A_87] : memref<512x32xf32, #tpu.memory_space<vmem>> -> memref<128x32xf32, #tpu.memory_space<vmem>>
    %dma_start3A_89 = arith.constant 0 : i32
    %dma_start3A_90 = tpu.memref_slice %arg7[%dma_start3A_85, %dma_start3A_89] : memref<4x128xi32, #tpu.memory_space<vmem>> -> memref<1x128xi32, #tpu.memory_space<vmem>>
    %dma_start3A_91 = tpu.memref_squeeze %dma_start3A_90 : memref<1x128xi32, #tpu.memory_space<vmem>> -> memref<128xi32, #tpu.memory_space<vmem>>
    %dma_start3A_92 = arith.constant 0 : i32
    %dma_start3A_93 = arith.constant 0 : i32
    %dma_start3A_94 = tpu.memref_slice %arg4[%dma_start3A_92, %dma_start3A_93] : memref<1000000x32xf32, #tpu.memory_space<hbm>> -> memref<1000000x32xf32, #tpu.memory_space<hbm>>
    tpu.enqueue_indirect_dma source(%dma_start3A_94 : memref<1000000x32xf32, #tpu.memory_space<hbm>>) target(%dma_start3A_88 : memref<128x32xf32, #tpu.memory_space<vmem>>) offsets(%dma_start3A_91 : memref<128xi32, #tpu.memory_space<vmem>>) semaphore(%arg12 : memref<!tpu.dma_semaphore, #tpu.memory_space<semaphore_mem>>)
    %dma_start3A_95 = arith.constant 3 : i32
    %dma_start3A_96 = arith.constant 384 : i32
    %dma_start3A_97 = arith.constant 0 : i32
    %dma_start3A_98 = tpu.memref_slice %arg10[%dma_start3A_96, %dma_start3A_97] : memref<512x32xf32, #tpu.memory_space<vmem>> -> memref<128x32xf32, #tpu.memory_space<vmem>>
    %dma_start3A_99 = arith.constant 0 : i32
    %dma_start3A_100 = tpu.memref_slice %arg8[%dma_start3A_95, %dma_start3A_99] : memref<4x128xi32, #tpu.memory_space<vmem>> -> memref<1x128xi32, #tpu.memory_space<vmem>>
    %dma_start3A_101 = tpu.memref_squeeze %dma_start3A_100 : memref<1x128xi32, #tpu.memory_space<vmem>> -> memref<128xi32, #tpu.memory_space<vmem>>
    %dma_start3A_102 = arith.constant 0 : i32
    %dma_start3A_103 = arith.constant 0 : i32
    %dma_start3A_104 = tpu.memref_slice %arg5[%dma_start3A_102, %dma_start3A_103] : memref<1000000x32xf32, #tpu.memory_space<hbm>> -> memref<1000000x32xf32, #tpu.memory_space<hbm>>
    tpu.enqueue_indirect_dma source(%dma_start3A_104 : memref<1000000x32xf32, #tpu.memory_space<hbm>>) target(%dma_start3A_98 : memref<128x32xf32, #tpu.memory_space<vmem>>) offsets(%dma_start3A_101 : memref<128xi32, #tpu.memory_space<vmem>>) semaphore(%arg12 : memref<!tpu.dma_semaphore, #tpu.memory_space<semaphore_mem>>)
    %dma_wait3A = arith.constant 0 : i32
    %dma_wait3A_105 = arith.constant 0 : i32
    %dma_wait3A_106 = arith.constant 0 : i32
    %dma_wait3A_107 = tpu.memref_slice %arg9[%dma_wait3A_105, %dma_wait3A_106] : memref<512x32xf32, #tpu.memory_space<vmem>> -> memref<128x32xf32, #tpu.memory_space<vmem>>
    %dma_wait3A_108 = arith.constant 0 : i32
    %dma_wait3A_109 = tpu.memref_slice %arg7[%dma_wait3A, %dma_wait3A_108] : memref<4x128xi32, #tpu.memory_space<vmem>> -> memref<1x128xi32, #tpu.memory_space<vmem>>
    %dma_wait3A_110 = tpu.memref_squeeze %dma_wait3A_109 : memref<1x128xi32, #tpu.memory_space<vmem>> -> memref<128xi32, #tpu.memory_space<vmem>>
    %dma_wait3A_111 = arith.constant 0 : i32
    %dma_wait3A_112 = arith.constant 0 : i32
    %dma_wait3A_113 = tpu.memref_slice %arg4[%dma_wait3A_111, %dma_wait3A_112] : memref<1000000x32xf32, #tpu.memory_space<hbm>> -> memref<1000000x32xf32, #tpu.memory_space<hbm>>
    tpu.wait_indirect_dma semaphore(%arg12 : memref<!tpu.dma_semaphore, #tpu.memory_space<semaphore_mem>>) src(%dma_wait3A_113 : memref<1000000x32xf32, #tpu.memory_space<hbm>>) dst(%dma_wait3A_107 : memref<128x32xf32, #tpu.memory_space<vmem>>)
    %dma_wait3A_114 = arith.constant 0 : i32
    %dma_wait3A_115 = arith.constant 0 : i32
    %dma_wait3A_116 = arith.constant 0 : i32
    %dma_wait3A_117 = tpu.memref_slice %arg10[%dma_wait3A_115, %dma_wait3A_116] : memref<512x32xf32, #tpu.memory_space<vmem>> -> memref<128x32xf32, #tpu.memory_space<vmem>>
    %dma_wait3A_118 = arith.constant 0 : i32
    %dma_wait3A_119 = tpu.memref_slice %arg8[%dma_wait3A_114, %dma_wait3A_118] : memref<4x128xi32, #tpu.memory_space<vmem>> -> memref<1x128xi32, #tpu.memory_space<vmem>>
    %dma_wait3A_120 = tpu.memref_squeeze %dma_wait3A_119 : memref<1x128xi32, #tpu.memory_space<vmem>> -> memref<128xi32, #tpu.memory_space<vmem>>
    %dma_wait3A_121 = arith.constant 0 : i32
    %dma_wait3A_122 = arith.constant 0 : i32
    %dma_wait3A_123 = tpu.memref_slice %arg5[%dma_wait3A_121, %dma_wait3A_122] : memref<1000000x32xf32, #tpu.memory_space<hbm>> -> memref<1000000x32xf32, #tpu.memory_space<hbm>>
    tpu.wait_indirect_dma semaphore(%arg12 : memref<!tpu.dma_semaphore, #tpu.memory_space<semaphore_mem>>) src(%dma_wait3A_123 : memref<1000000x32xf32, #tpu.memory_space<hbm>>) dst(%dma_wait3A_117 : memref<128x32xf32, #tpu.memory_space<vmem>>)
    %dma_wait3A_124 = arith.constant 1 : i32
    %dma_wait3A_125 = arith.constant 128 : i32
    %dma_wait3A_126 = arith.constant 0 : i32
    %dma_wait3A_127 = tpu.memref_slice %arg9[%dma_wait3A_125, %dma_wait3A_126] : memref<512x32xf32, #tpu.memory_space<vmem>> -> memref<128x32xf32, #tpu.memory_space<vmem>>
    %dma_wait3A_128 = arith.constant 0 : i32
    %dma_wait3A_129 = tpu.memref_slice %arg7[%dma_wait3A_124, %dma_wait3A_128] : memref<4x128xi32, #tpu.memory_space<vmem>> -> memref<1x128xi32, #tpu.memory_space<vmem>>
    %dma_wait3A_130 = tpu.memref_squeeze %dma_wait3A_129 : memref<1x128xi32, #tpu.memory_space<vmem>> -> memref<128xi32, #tpu.memory_space<vmem>>
    %dma_wait3A_131 = arith.constant 0 : i32
    %dma_wait3A_132 = arith.constant 0 : i32
    %dma_wait3A_133 = tpu.memref_slice %arg4[%dma_wait3A_131, %dma_wait3A_132] : memref<1000000x32xf32, #tpu.memory_space<hbm>> -> memref<1000000x32xf32, #tpu.memory_space<hbm>>
    tpu.wait_indirect_dma semaphore(%arg12 : memref<!tpu.dma_semaphore, #tpu.memory_space<semaphore_mem>>) src(%dma_wait3A_133 : memref<1000000x32xf32, #tpu.memory_space<hbm>>) dst(%dma_wait3A_127 : memref<128x32xf32, #tpu.memory_space<vmem>>)
    %dma_wait3A_134 = arith.constant 1 : i32
    %dma_wait3A_135 = arith.constant 128 : i32
    %dma_wait3A_136 = arith.constant 0 : i32
    %dma_wait3A_137 = tpu.memref_slice %arg10[%dma_wait3A_135, %dma_wait3A_136] : memref<512x32xf32, #tpu.memory_space<vmem>> -> memref<128x32xf32, #tpu.memory_space<vmem>>
    %dma_wait3A_138 = arith.constant 0 : i32
    %dma_wait3A_139 = tpu.memref_slice %arg8[%dma_wait3A_134, %dma_wait3A_138] : memref<4x128xi32, #tpu.memory_space<vmem>> -> memref<1x128xi32, #tpu.memory_space<vmem>>
    %dma_wait3A_140 = tpu.memref_squeeze %dma_wait3A_139 : memref<1x128xi32, #tpu.memory_space<vmem>> -> memref<128xi32, #tpu.memory_space<vmem>>
    %dma_wait3A_141 = arith.constant 0 : i32
    %dma_wait3A_142 = arith.constant 0 : i32
    %dma_wait3A_143 = tpu.memref_slice %arg5[%dma_wait3A_141, %dma_wait3A_142] : memref<1000000x32xf32, #tpu.memory_space<hbm>> -> memref<1000000x32xf32, #tpu.memory_space<hbm>>
    tpu.wait_indirect_dma semaphore(%arg12 : memref<!tpu.dma_semaphore, #tpu.memory_space<semaphore_mem>>) src(%dma_wait3A_143 : memref<1000000x32xf32, #tpu.memory_space<hbm>>) dst(%dma_wait3A_137 : memref<128x32xf32, #tpu.memory_space<vmem>>)
    %dma_wait3A_144 = arith.constant 2 : i32
    %dma_wait3A_145 = arith.constant 256 : i32
    %dma_wait3A_146 = arith.constant 0 : i32
    %dma_wait3A_147 = tpu.memref_slice %arg9[%dma_wait3A_145, %dma_wait3A_146] : memref<512x32xf32, #tpu.memory_space<vmem>> -> memref<128x32xf32, #tpu.memory_space<vmem>>
    %dma_wait3A_148 = arith.constant 0 : i32
    %dma_wait3A_149 = tpu.memref_slice %arg7[%dma_wait3A_144, %dma_wait3A_148] : memref<4x128xi32, #tpu.memory_space<vmem>> -> memref<1x128xi32, #tpu.memory_space<vmem>>
    %dma_wait3A_150 = tpu.memref_squeeze %dma_wait3A_149 : memref<1x128xi32, #tpu.memory_space<vmem>> -> memref<128xi32, #tpu.memory_space<vmem>>
    %dma_wait3A_151 = arith.constant 0 : i32
    %dma_wait3A_152 = arith.constant 0 : i32
    %dma_wait3A_153 = tpu.memref_slice %arg4[%dma_wait3A_151, %dma_wait3A_152] : memref<1000000x32xf32, #tpu.memory_space<hbm>> -> memref<1000000x32xf32, #tpu.memory_space<hbm>>
    tpu.wait_indirect_dma semaphore(%arg12 : memref<!tpu.dma_semaphore, #tpu.memory_space<semaphore_mem>>) src(%dma_wait3A_153 : memref<1000000x32xf32, #tpu.memory_space<hbm>>) dst(%dma_wait3A_147 : memref<128x32xf32, #tpu.memory_space<vmem>>)
    %dma_wait3A_154 = arith.constant 2 : i32
    %dma_wait3A_155 = arith.constant 256 : i32
    %dma_wait3A_156 = arith.constant 0 : i32
    %dma_wait3A_157 = tpu.memref_slice %arg10[%dma_wait3A_155, %dma_wait3A_156] : memref<512x32xf32, #tpu.memory_space<vmem>> -> memref<128x32xf32, #tpu.memory_space<vmem>>
    %dma_wait3A_158 = arith.constant 0 : i32
    %dma_wait3A_159 = tpu.memref_slice %arg8[%dma_wait3A_154, %dma_wait3A_158] : memref<4x128xi32, #tpu.memory_space<vmem>> -> memref<1x128xi32, #tpu.memory_space<vmem>>
    %dma_wait3A_160 = tpu.memref_squeeze %dma_wait3A_159 : memref<1x128xi32, #tpu.memory_space<vmem>> -> memref<128xi32, #tpu.memory_space<vmem>>
    %dma_wait3A_161 = arith.constant 0 : i32
    %dma_wait3A_162 = arith.constant 0 : i32
    %dma_wait3A_163 = tpu.memref_slice %arg5[%dma_wait3A_161, %dma_wait3A_162] : memref<1000000x32xf32, #tpu.memory_space<hbm>> -> memref<1000000x32xf32, #tpu.memory_space<hbm>>
    tpu.wait_indirect_dma semaphore(%arg12 : memref<!tpu.dma_semaphore, #tpu.memory_space<semaphore_mem>>) src(%dma_wait3A_163 : memref<1000000x32xf32, #tpu.memory_space<hbm>>) dst(%dma_wait3A_157 : memref<128x32xf32, #tpu.memory_space<vmem>>)
    %dma_wait3A_164 = arith.constant 3 : i32
    %dma_wait3A_165 = arith.constant 384 : i32
    %dma_wait3A_166 = arith.constant 0 : i32
    %dma_wait3A_167 = tpu.memref_slice %arg9[%dma_wait3A_165, %dma_wait3A_166] : memref<512x32xf32, #tpu.memory_space<vmem>> -> memref<128x32xf32, #tpu.memory_space<vmem>>
    %dma_wait3A_168 = arith.constant 0 : i32
    %dma_wait3A_169 = tpu.memref_slice %arg7[%dma_wait3A_164, %dma_wait3A_168] : memref<4x128xi32, #tpu.memory_space<vmem>> -> memref<1x128xi32, #tpu.memory_space<vmem>>
    %dma_wait3A_170 = tpu.memref_squeeze %dma_wait3A_169 : memref<1x128xi32, #tpu.memory_space<vmem>> -> memref<128xi32, #tpu.memory_space<vmem>>
    %dma_wait3A_171 = arith.constant 0 : i32
    %dma_wait3A_172 = arith.constant 0 : i32
    %dma_wait3A_173 = tpu.memref_slice %arg4[%dma_wait3A_171, %dma_wait3A_172] : memref<1000000x32xf32, #tpu.memory_space<hbm>> -> memref<1000000x32xf32, #tpu.memory_space<hbm>>
    tpu.wait_indirect_dma semaphore(%arg12 : memref<!tpu.dma_semaphore, #tpu.memory_space<semaphore_mem>>) src(%dma_wait3A_173 : memref<1000000x32xf32, #tpu.memory_space<hbm>>) dst(%dma_wait3A_167 : memref<128x32xf32, #tpu.memory_space<vmem>>)
    %dma_wait3A_174 = arith.constant 3 : i32
    %dma_wait3A_175 = arith.constant 384 : i32
    %dma_wait3A_176 = arith.constant 0 : i32
    %dma_wait3A_177 = tpu.memref_slice %arg10[%dma_wait3A_175, %dma_wait3A_176] : memref<512x32xf32, #tpu.memory_space<vmem>> -> memref<128x32xf32, #tpu.memory_space<vmem>>
    %dma_wait3A_178 = arith.constant 0 : i32
    %dma_wait3A_179 = tpu.memref_slice %arg8[%dma_wait3A_174, %dma_wait3A_178] : memref<4x128xi32, #tpu.memory_space<vmem>> -> memref<1x128xi32, #tpu.memory_space<vmem>>
    %dma_wait3A_180 = tpu.memref_squeeze %dma_wait3A_179 : memref<1x128xi32, #tpu.memory_space<vmem>> -> memref<128xi32, #tpu.memory_space<vmem>>
    %dma_wait3A_181 = arith.constant 0 : i32
    %dma_wait3A_182 = arith.constant 0 : i32
    %dma_wait3A_183 = tpu.memref_slice %arg5[%dma_wait3A_181, %dma_wait3A_182] : memref<1000000x32xf32, #tpu.memory_space<hbm>> -> memref<1000000x32xf32, #tpu.memory_space<hbm>>
    tpu.wait_indirect_dma semaphore(%arg12 : memref<!tpu.dma_semaphore, #tpu.memory_space<semaphore_mem>>) src(%dma_wait3A_183 : memref<1000000x32xf32, #tpu.memory_space<hbm>>) dst(%dma_wait3A_177 : memref<128x32xf32, #tpu.memory_space<vmem>>)
    %iota3A = tpu.iota {dimensions = array<i32: 0>} : vector<16xi32>
    %broadcast_in_dim3A = arith.constant 0.000000e+00 : f32
    %broadcast_in_dim3A_184 = vector.broadcast %broadcast_in_dim3A : f32 to vector<16xf32>
    %scan3A = arith.constant 0 : i32
    %scan3A_185 = arith.constant 0 : i32
    %scan3A_186 = arith.constant 32 : i32
    %scan3A_187 = arith.addi %scan3A_185, %scan3A_186 : i32
    %scan3A_188 = arith.constant 1 : i32
    scf.for %scan3A_190 = %scan3A_185 to %scan3A_187 step %scan3A_188  : i32 {
      %mul3A_191 = arith.constant 16 : i32
      %mul3A_192 = arith.muli %scan3A_190, %mul3A_191 : i32
      %add3A_193 = vector.broadcast %mul3A_192 : i32 to vector<16xi32>
      %add3A_194 = arith.addi %add3A_193, %iota3A : vector<16xi32>
      %broadcast_in_dim3A_195 = arith.constant 0 : i32
      %broadcast_in_dim3A_196 = vector.broadcast %broadcast_in_dim3A_195 : i32 to vector<16xi32>
      %gather3A = tpu.vector_load_idx %arg9[%add3A_194, %broadcast_in_dim3A_196] : memref<512x32xf32, #tpu.memory_space<vmem>>[vector<16xi32>, vector<16xi32>], vector<16xf32>,
      %gather3A_197 = tpu.vector_load_idx %arg10[%add3A_194, %broadcast_in_dim3A_196] : memref<512x32xf32, #tpu.memory_space<vmem>>[vector<16xi32>, vector<16xi32>], vector<16xf32>,
      %mul3A_198 = arith.mulf %gather3A, %gather3A_197 : vector<16xf32>
      %add3A_199 = arith.addf %broadcast_in_dim3A_184, %mul3A_198 : vector<16xf32>
      %mul3A_200 = arith.mulf %gather3A, %gather3A : vector<16xf32>
      %add3A_201 = arith.addf %broadcast_in_dim3A_184, %mul3A_200 : vector<16xf32>
      %mul3A_202 = arith.mulf %gather3A_197, %gather3A_197 : vector<16xf32>
      %add3A_203 = arith.addf %broadcast_in_dim3A_184, %mul3A_202 : vector<16xf32>
      %broadcast_in_dim3A_204 = arith.constant 1 : i32
      %broadcast_in_dim3A_205 = vector.broadcast %broadcast_in_dim3A_204 : i32 to vector<16xi32>
      %gather3A_206 = tpu.vector_load_idx %arg9[%add3A_194, %broadcast_in_dim3A_205] : memref<512x32xf32, #tpu.memory_space<vmem>>[vector<16xi32>, vector<16xi32>], vector<16xf32>,
      %gather3A_207 = tpu.vector_load_idx %arg10[%add3A_194, %broadcast_in_dim3A_205] : memref<512x32xf32, #tpu.memory_space<vmem>>[vector<16xi32>, vector<16xi32>], vector<16xf32>,
      %mul3A_208 = arith.mulf %gather3A_206, %gather3A_207 : vector<16xf32>
      %add3A_209 = arith.addf %add3A_199, %mul3A_208 : vector<16xf32>
      %mul3A_210 = arith.mulf %gather3A_206, %gather3A_206 : vector<16xf32>
      %add3A_211 = arith.addf %add3A_201, %mul3A_210 : vector<16xf32>
      %mul3A_212 = arith.mulf %gather3A_207, %gather3A_207 : vector<16xf32>
      %add3A_213 = arith.addf %add3A_203, %mul3A_212 : vector<16xf32>
      %broadcast_in_dim3A_214 = arith.constant 2 : i32
      %broadcast_in_dim3A_215 = vector.broadcast %broadcast_in_dim3A_214 : i32 to vector<16xi32>
      %gather3A_216 = tpu.vector_load_idx %arg9[%add3A_194, %broadcast_in_dim3A_215] : memref<512x32xf32, #tpu.memory_space<vmem>>[vector<16xi32>, vector<16xi32>], vector<16xf32>,
      %gather3A_217 = tpu.vector_load_idx %arg10[%add3A_194, %broadcast_in_dim3A_215] : memref<512x32xf32, #tpu.memory_space<vmem>>[vector<16xi32>, vector<16xi32>], vector<16xf32>,
      %mul3A_218 = arith.mulf %gather3A_216, %gather3A_217 : vector<16xf32>
      %add3A_219 = arith.addf %add3A_209, %mul3A_218 : vector<16xf32>
      %mul3A_220 = arith.mulf %gather3A_216, %gather3A_216 : vector<16xf32>
      %add3A_221 = arith.addf %add3A_211, %mul3A_220 : vector<16xf32>
      %mul3A_222 = arith.mulf %gather3A_217, %gather3A_217 : vector<16xf32>
      %add3A_223 = arith.addf %add3A_213, %mul3A_222 : vector<16xf32>
      %broadcast_in_dim3A_224 = arith.constant 3 : i32
      %broadcast_in_dim3A_225 = vector.broadcast %broadcast_in_dim3A_224 : i32 to vector<16xi32>
      %gather3A_226 = tpu.vector_load_idx %arg9[%add3A_194, %broadcast_in_dim3A_225] : memref<512x32xf32, #tpu.memory_space<vmem>>[vector<16xi32>, vector<16xi32>], vector<16xf32>,
      %gather3A_227 = tpu.vector_load_idx %arg10[%add3A_194, %broadcast_in_dim3A_225] : memref<512x32xf32, #tpu.memory_space<vmem>>[vector<16xi32>, vector<16xi32>], vector<16xf32>,
      %mul3A_228 = arith.mulf %gather3A_226, %gather3A_227 : vector<16xf32>
      %add3A_229 = arith.addf %add3A_219, %mul3A_228 : vector<16xf32>
      %mul3A_230 = arith.mulf %gather3A_226, %gather3A_226 : vector<16xf32>
      %add3A_231 = arith.addf %add3A_221, %mul3A_230 : vector<16xf32>
      %mul3A_232 = arith.mulf %gather3A_227, %gather3A_227 : vector<16xf32>
      %add3A_233 = arith.addf %add3A_223, %mul3A_232 : vector<16xf32>
      %broadcast_in_dim3A_234 = arith.constant 4 : i32
      %broadcast_in_dim3A_235 = vector.broadcast %broadcast_in_dim3A_234 : i32 to vector<16xi32>
      %gather3A_236 = tpu.vector_load_idx %arg9[%add3A_194, %broadcast_in_dim3A_235] : memref<512x32xf32, #tpu.memory_space<vmem>>[vector<16xi32>, vector<16xi32>], vector<16xf32>,
      %gather3A_237 = tpu.vector_load_idx %arg10[%add3A_194, %broadcast_in_dim3A_235] : memref<512x32xf32, #tpu.memory_space<vmem>>[vector<16xi32>, vector<16xi32>], vector<16xf32>,
      %mul3A_238 = arith.mulf %gather3A_236, %gather3A_237 : vector<16xf32>
      %add3A_239 = arith.addf %add3A_229, %mul3A_238 : vector<16xf32>
      %mul3A_240 = arith.mulf %gather3A_236, %gather3A_236 : vector<16xf32>
      %add3A_241 = arith.addf %add3A_231, %mul3A_240 : vector<16xf32>
      %mul3A_242 = arith.mulf %gather3A_237, %gather3A_237 : vector<16xf32>
      %add3A_243 = arith.addf %add3A_233, %mul3A_242 : vector<16xf32>
      %broadcast_in_dim3A_244 = arith.constant 5 : i32
      %broadcast_in_dim3A_245 = vector.broadcast %broadcast_in_dim3A_244 : i32 to vector<16xi32>
      %gather3A_246 = tpu.vector_load_idx %arg9[%add3A_194, %broadcast_in_dim3A_245] : memref<512x32xf32, #tpu.memory_space<vmem>>[vector<16xi32>, vector<16xi32>], vector<16xf32>,
      %gather3A_247 = tpu.vector_load_idx %arg10[%add3A_194, %broadcast_in_dim3A_245] : memref<512x32xf32, #tpu.memory_space<vmem>>[vector<16xi32>, vector<16xi32>], vector<16xf32>,
      %mul3A_248 = arith.mulf %gather3A_246, %gather3A_247 : vector<16xf32>
      %add3A_249 = arith.addf %add3A_239, %mul3A_248 : vector<16xf32>
      %mul3A_250 = arith.mulf %gather3A_246, %gather3A_246 : vector<16xf32>
      %add3A_251 = arith.addf %add3A_241, %mul3A_250 : vector<16xf32>
      %mul3A_252 = arith.mulf %gather3A_247, %gather3A_247 : vector<16xf32>
      %add3A_253 = arith.addf %add3A_243, %mul3A_252 : vector<16xf32>
      %broadcast_in_dim3A_254 = arith.constant 6 : i32
      %broadcast_in_dim3A_255 = vector.broadcast %broadcast_in_dim3A_254 : i32 to vector<16xi32>
      %gather3A_256 = tpu.vector_load_idx %arg9[%add3A_194, %broadcast_in_dim3A_255] : memref<512x32xf32, #tpu.memory_space<vmem>>[vector<16xi32>, vector<16xi32>], vector<16xf32>,
      %gather3A_257 = tpu.vector_load_idx %arg10[%add3A_194, %broadcast_in_dim3A_255] : memref<512x32xf32, #tpu.memory_space<vmem>>[vector<16xi32>, vector<16xi32>], vector<16xf32>,
      %mul3A_258 = arith.mulf %gather3A_256, %gather3A_257 : vector<16xf32>
      %add3A_259 = arith.addf %add3A_249, %mul3A_258 : vector<16xf32>
      %mul3A_260 = arith.mulf %gather3A_256, %gather3A_256 : vector<16xf32>
      %add3A_261 = arith.addf %add3A_251, %mul3A_260 : vector<16xf32>
      %mul3A_262 = arith.mulf %gather3A_257, %gather3A_257 : vector<16xf32>
      %add3A_263 = arith.addf %add3A_253, %mul3A_262 : vector<16xf32>
      %broadcast_in_dim3A_264 = arith.constant 7 : i32
      %broadcast_in_dim3A_265 = vector.broadcast %broadcast_in_dim3A_264 : i32 to vector<16xi32>
      %gather3A_266 = tpu.vector_load_idx %arg9[%add3A_194, %broadcast_in_dim3A_265] : memref<512x32xf32, #tpu.memory_space<vmem>>[vector<16xi32>, vector<16xi32>], vector<16xf32>,
      %gather3A_267 = tpu.vector_load_idx %arg10[%add3A_194, %broadcast_in_dim3A_265] : memref<512x32xf32, #tpu.memory_space<vmem>>[vector<16xi32>, vector<16xi32>], vector<16xf32>,
      %mul3A_268 = arith.mulf %gather3A_266, %gather3A_267 : vector<16xf32>
      %add3A_269 = arith.addf %add3A_259, %mul3A_268 : vector<16xf32>
      %mul3A_270 = arith.mulf %gather3A_266, %gather3A_266 : vector<16xf32>
      %add3A_271 = arith.addf %add3A_261, %mul3A_270 : vector<16xf32>
      %mul3A_272 = arith.mulf %gather3A_267, %gather3A_267 : vector<16xf32>
      %add3A_273 = arith.addf %add3A_263, %mul3A_272 : vector<16xf32>
      %broadcast_in_dim3A_274 = arith.constant 8 : i32
      %broadcast_in_dim3A_275 = vector.broadcast %broadcast_in_dim3A_274 : i32 to vector<16xi32>
      %gather3A_276 = tpu.vector_load_idx %arg9[%add3A_194, %broadcast_in_dim3A_275] : memref<512x32xf32, #tpu.memory_space<vmem>>[vector<16xi32>, vector<16xi32>], vector<16xf32>,
      %gather3A_277 = tpu.vector_load_idx %arg10[%add3A_194, %broadcast_in_dim3A_275] : memref<512x32xf32, #tpu.memory_space<vmem>>[vector<16xi32>, vector<16xi32>], vector<16xf32>,
      %mul3A_278 = arith.mulf %gather3A_276, %gather3A_277 : vector<16xf32>
      %add3A_279 = arith.addf %add3A_269, %mul3A_278 : vector<16xf32>
      %mul3A_280 = arith.mulf %gather3A_276, %gather3A_276 : vector<16xf32>
      %add3A_281 = arith.addf %add3A_271, %mul3A_280 : vector<16xf32>
      %mul3A_282 = arith.mulf %gather3A_277, %gather3A_277 : vector<16xf32>
      %add3A_283 = arith.addf %add3A_273, %mul3A_282 : vector<16xf32>
      %broadcast_in_dim3A_284 = arith.constant 9 : i32
      %broadcast_in_dim3A_285 = vector.broadcast %broadcast_in_dim3A_284 : i32 to vector<16xi32>
      %gather3A_286 = tpu.vector_load_idx %arg9[%add3A_194, %broadcast_in_dim3A_285] : memref<512x32xf32, #tpu.memory_space<vmem>>[vector<16xi32>, vector<16xi32>], vector<16xf32>,
      %gather3A_287 = tpu.vector_load_idx %arg10[%add3A_194, %broadcast_in_dim3A_285] : memref<512x32xf32, #tpu.memory_space<vmem>>[vector<16xi32>, vector<16xi32>], vector<16xf32>,
      %mul3A_288 = arith.mulf %gather3A_286, %gather3A_287 : vector<16xf32>
      %add3A_289 = arith.addf %add3A_279, %mul3A_288 : vector<16xf32>
      %mul3A_290 = arith.mulf %gather3A_286, %gather3A_286 : vector<16xf32>
      %add3A_291 = arith.addf %add3A_281, %mul3A_290 : vector<16xf32>
      %mul3A_292 = arith.mulf %gather3A_287, %gather3A_287 : vector<16xf32>
      %add3A_293 = arith.addf %add3A_283, %mul3A_292 : vector<16xf32>
      %broadcast_in_dim3A_294 = arith.constant 10 : i32
      %broadcast_in_dim3A_295 = vector.broadcast %broadcast_in_dim3A_294 : i32 to vector<16xi32>
      %gather3A_296 = tpu.vector_load_idx %arg9[%add3A_194, %broadcast_in_dim3A_295] : memref<512x32xf32, #tpu.memory_space<vmem>>[vector<16xi32>, vector<16xi32>], vector<16xf32>,
      %gather3A_297 = tpu.vector_load_idx %arg10[%add3A_194, %broadcast_in_dim3A_295] : memref<512x32xf32, #tpu.memory_space<vmem>>[vector<16xi32>, vector<16xi32>], vector<16xf32>,
      %mul3A_298 = arith.mulf %gather3A_296, %gather3A_297 : vector<16xf32>
      %add3A_299 = arith.addf %add3A_289, %mul3A_298 : vector<16xf32>
      %mul3A_300 = arith.mulf %gather3A_296, %gather3A_296 : vector<16xf32>
      %add3A_301 = arith.addf %add3A_291, %mul3A_300 : vector<16xf32>
      %mul3A_302 = arith.mulf %gather3A_297, %gather3A_297 : vector<16xf32>
      %add3A_303 = arith.addf %add3A_293, %mul3A_302 : vector<16xf32>
      %broadcast_in_dim3A_304 = arith.constant 11 : i32
      %broadcast_in_dim3A_305 = vector.broadcast %broadcast_in_dim3A_304 : i32 to vector<16xi32>
      %gather3A_306 = tpu.vector_load_idx %arg9[%add3A_194, %broadcast_in_dim3A_305] : memref<512x32xf32, #tpu.memory_space<vmem>>[vector<16xi32>, vector<16xi32>], vector<16xf32>,
      %gather3A_307 = tpu.vector_load_idx %arg10[%add3A_194, %broadcast_in_dim3A_305] : memref<512x32xf32, #tpu.memory_space<vmem>>[vector<16xi32>, vector<16xi32>], vector<16xf32>,
      %mul3A_308 = arith.mulf %gather3A_306, %gather3A_307 : vector<16xf32>
      %add3A_309 = arith.addf %add3A_299, %mul3A_308 : vector<16xf32>
      %mul3A_310 = arith.mulf %gather3A_306, %gather3A_306 : vector<16xf32>
      %add3A_311 = arith.addf %add3A_301, %mul3A_310 : vector<16xf32>
      %mul3A_312 = arith.mulf %gather3A_307, %gather3A_307 : vector<16xf32>
      %add3A_313 = arith.addf %add3A_303, %mul3A_312 : vector<16xf32>
      %broadcast_in_dim3A_314 = arith.constant 12 : i32
      %broadcast_in_dim3A_315 = vector.broadcast %broadcast_in_dim3A_314 : i32 to vector<16xi32>
      %gather3A_316 = tpu.vector_load_idx %arg9[%add3A_194, %broadcast_in_dim3A_315] : memref<512x32xf32, #tpu.memory_space<vmem>>[vector<16xi32>, vector<16xi32>], vector<16xf32>,
      %gather3A_317 = tpu.vector_load_idx %arg10[%add3A_194, %broadcast_in_dim3A_315] : memref<512x32xf32, #tpu.memory_space<vmem>>[vector<16xi32>, vector<16xi32>], vector<16xf32>,
      %mul3A_318 = arith.mulf %gather3A_316, %gather3A_317 : vector<16xf32>
      %add3A_319 = arith.addf %add3A_309, %mul3A_318 : vector<16xf32>
      %mul3A_320 = arith.mulf %gather3A_316, %gather3A_316 : vector<16xf32>
      %add3A_321 = arith.addf %add3A_311, %mul3A_320 : vector<16xf32>
      %mul3A_322 = arith.mulf %gather3A_317, %gather3A_317 : vector<16xf32>
      %add3A_323 = arith.addf %add3A_313, %mul3A_322 : vector<16xf32>
      %broadcast_in_dim3A_324 = arith.constant 13 : i32
      %broadcast_in_dim3A_325 = vector.broadcast %broadcast_in_dim3A_324 : i32 to vector<16xi32>
      %gather3A_326 = tpu.vector_load_idx %arg9[%add3A_194, %broadcast_in_dim3A_325] : memref<512x32xf32, #tpu.memory_space<vmem>>[vector<16xi32>, vector<16xi32>], vector<16xf32>,
      %gather3A_327 = tpu.vector_load_idx %arg10[%add3A_194, %broadcast_in_dim3A_325] : memref<512x32xf32, #tpu.memory_space<vmem>>[vector<16xi32>, vector<16xi32>], vector<16xf32>,
      %mul3A_328 = arith.mulf %gather3A_326, %gather3A_327 : vector<16xf32>
      %add3A_329 = arith.addf %add3A_319, %mul3A_328 : vector<16xf32>
      %mul3A_330 = arith.mulf %gather3A_326, %gather3A_326 : vector<16xf32>
      %add3A_331 = arith.addf %add3A_321, %mul3A_330 : vector<16xf32>
      %mul3A_332 = arith.mulf %gather3A_327, %gather3A_327 : vector<16xf32>
      %add3A_333 = arith.addf %add3A_323, %mul3A_332 : vector<16xf32>
      %broadcast_in_dim3A_334 = arith.constant 14 : i32
      %broadcast_in_dim3A_335 = vector.broadcast %broadcast_in_dim3A_334 : i32 to vector<16xi32>
      %gather3A_336 = tpu.vector_load_idx %arg9[%add3A_194, %broadcast_in_dim3A_335] : memref<512x32xf32, #tpu.memory_space<vmem>>[vector<16xi32>, vector<16xi32>], vector<16xf32>,
      %gather3A_337 = tpu.vector_load_idx %arg10[%add3A_194, %broadcast_in_dim3A_335] : memref<512x32xf32, #tpu.memory_space<vmem>>[vector<16xi32>, vector<16xi32>], vector<16xf32>,
      %mul3A_338 = arith.mulf %gather3A_336, %gather3A_337 : vector<16xf32>
      %add3A_339 = arith.addf %add3A_329, %mul3A_338 : vector<16xf32>
      %mul3A_340 = arith.mulf %gather3A_336, %gather3A_336 : vector<16xf32>
      %add3A_341 = arith.addf %add3A_331, %mul3A_340 : vector<16xf32>
      %mul3A_342 = arith.mulf %gather3A_337, %gather3A_337 : vector<16xf32>
      %add3A_343 = arith.addf %add3A_333, %mul3A_342 : vector<16xf32>
      %broadcast_in_dim3A_344 = arith.constant 15 : i32
      %broadcast_in_dim3A_345 = vector.broadcast %broadcast_in_dim3A_344 : i32 to vector<16xi32>
      %gather3A_346 = tpu.vector_load_idx %arg9[%add3A_194, %broadcast_in_dim3A_345] : memref<512x32xf32, #tpu.memory_space<vmem>>[vector<16xi32>, vector<16xi32>], vector<16xf32>,
      %gather3A_347 = tpu.vector_load_idx %arg10[%add3A_194, %broadcast_in_dim3A_345] : memref<512x32xf32, #tpu.memory_space<vmem>>[vector<16xi32>, vector<16xi32>], vector<16xf32>,
      %mul3A_348 = arith.mulf %gather3A_346, %gather3A_347 : vector<16xf32>
      %add3A_349 = arith.addf %add3A_339, %mul3A_348 : vector<16xf32>
      %mul3A_350 = arith.mulf %gather3A_346, %gather3A_346 : vector<16xf32>
      %add3A_351 = arith.addf %add3A_341, %mul3A_350 : vector<16xf32>
      %mul3A_352 = arith.mulf %gather3A_347, %gather3A_347 : vector<16xf32>
      %add3A_353 = arith.addf %add3A_343, %mul3A_352 : vector<16xf32>
      %broadcast_in_dim3A_354 = arith.constant 16 : i32
      %broadcast_in_dim3A_355 = vector.broadcast %broadcast_in_dim3A_354 : i32 to vector<16xi32>
      %gather3A_356 = tpu.vector_load_idx %arg9[%add3A_194, %broadcast_in_dim3A_355] : memref<512x32xf32, #tpu.memory_space<vmem>>[vector<16xi32>, vector<16xi32>], vector<16xf32>,
      %gather3A_357 = tpu.vector_load_idx %arg10[%add3A_194, %broadcast_in_dim3A_355] : memref<512x32xf32, #tpu.memory_space<vmem>>[vector<16xi32>, vector<16xi32>], vector<16xf32>,
      %mul3A_358 = arith.mulf %gather3A_356, %gather3A_357 : vector<16xf32>
      %add3A_359 = arith.addf %add3A_349, %mul3A_358 : vector<16xf32>
      %mul3A_360 = arith.mulf %gather3A_356, %gather3A_356 : vector<16xf32>
      %add3A_361 = arith.addf %add3A_351, %mul3A_360 : vector<16xf32>
      %mul3A_362 = arith.mulf %gather3A_357, %gather3A_357 : vector<16xf32>
      %add3A_363 = arith.addf %add3A_353, %mul3A_362 : vector<16xf32>
      %broadcast_in_dim3A_364 = arith.constant 17 : i32
      %broadcast_in_dim3A_365 = vector.broadcast %broadcast_in_dim3A_364 : i32 to vector<16xi32>
      %gather3A_366 = tpu.vector_load_idx %arg9[%add3A_194, %broadcast_in_dim3A_365] : memref<512x32xf32, #tpu.memory_space<vmem>>[vector<16xi32>, vector<16xi32>], vector<16xf32>,
      %gather3A_367 = tpu.vector_load_idx %arg10[%add3A_194, %broadcast_in_dim3A_365] : memref<512x32xf32, #tpu.memory_space<vmem>>[vector<16xi32>, vector<16xi32>], vector<16xf32>,
      %mul3A_368 = arith.mulf %gather3A_366, %gather3A_367 : vector<16xf32>
      %add3A_369 = arith.addf %add3A_359, %mul3A_368 : vector<16xf32>
      %mul3A_370 = arith.mulf %gather3A_366, %gather3A_366 : vector<16xf32>
      %add3A_371 = arith.addf %add3A_361, %mul3A_370 : vector<16xf32>
      %mul3A_372 = arith.mulf %gather3A_367, %gather3A_367 : vector<16xf32>
      %add3A_373 = arith.addf %add3A_363, %mul3A_372 : vector<16xf32>
      %broadcast_in_dim3A_374 = arith.constant 18 : i32
      %broadcast_in_dim3A_375 = vector.broadcast %broadcast_in_dim3A_374 : i32 to vector<16xi32>
      %gather3A_376 = tpu.vector_load_idx %arg9[%add3A_194, %broadcast_in_dim3A_375] : memref<512x32xf32, #tpu.memory_space<vmem>>[vector<16xi32>, vector<16xi32>], vector<16xf32>,
      %gather3A_377 = tpu.vector_load_idx %arg10[%add3A_194, %broadcast_in_dim3A_375] : memref<512x32xf32, #tpu.memory_space<vmem>>[vector<16xi32>, vector<16xi32>], vector<16xf32>,
      %mul3A_378 = arith.mulf %gather3A_376, %gather3A_377 : vector<16xf32>
      %add3A_379 = arith.addf %add3A_369, %mul3A_378 : vector<16xf32>
      %mul3A_380 = arith.mulf %gather3A_376, %gather3A_376 : vector<16xf32>
      %add3A_381 = arith.addf %add3A_371, %mul3A_380 : vector<16xf32>
      %mul3A_382 = arith.mulf %gather3A_377, %gather3A_377 : vector<16xf32>
      %add3A_383 = arith.addf %add3A_373, %mul3A_382 : vector<16xf32>
      %broadcast_in_dim3A_384 = arith.constant 19 : i32
      %broadcast_in_dim3A_385 = vector.broadcast %broadcast_in_dim3A_384 : i32 to vector<16xi32>
      %gather3A_386 = tpu.vector_load_idx %arg9[%add3A_194, %broadcast_in_dim3A_385] : memref<512x32xf32, #tpu.memory_space<vmem>>[vector<16xi32>, vector<16xi32>], vector<16xf32>,
      %gather3A_387 = tpu.vector_load_idx %arg10[%add3A_194, %broadcast_in_dim3A_385] : memref<512x32xf32, #tpu.memory_space<vmem>>[vector<16xi32>, vector<16xi32>], vector<16xf32>,
      %mul3A_388 = arith.mulf %gather3A_386, %gather3A_387 : vector<16xf32>
      %add3A_389 = arith.addf %add3A_379, %mul3A_388 : vector<16xf32>
      %mul3A_390 = arith.mulf %gather3A_386, %gather3A_386 : vector<16xf32>
      %add3A_391 = arith.addf %add3A_381, %mul3A_390 : vector<16xf32>
      %mul3A_392 = arith.mulf %gather3A_387, %gather3A_387 : vector<16xf32>
      %add3A_393 = arith.addf %add3A_383, %mul3A_392 : vector<16xf32>
      %broadcast_in_dim3A_394 = arith.constant 20 : i32
      %broadcast_in_dim3A_395 = vector.broadcast %broadcast_in_dim3A_394 : i32 to vector<16xi32>
      %gather3A_396 = tpu.vector_load_idx %arg9[%add3A_194, %broadcast_in_dim3A_395] : memref<512x32xf32, #tpu.memory_space<vmem>>[vector<16xi32>, vector<16xi32>], vector<16xf32>,
      %gather3A_397 = tpu.vector_load_idx %arg10[%add3A_194, %broadcast_in_dim3A_395] : memref<512x32xf32, #tpu.memory_space<vmem>>[vector<16xi32>, vector<16xi32>], vector<16xf32>,
      %mul3A_398 = arith.mulf %gather3A_396, %gather3A_397 : vector<16xf32>
      %add3A_399 = arith.addf %add3A_389, %mul3A_398 : vector<16xf32>
      %mul3A_400 = arith.mulf %gather3A_396, %gather3A_396 : vector<16xf32>
      %add3A_401 = arith.addf %add3A_391, %mul3A_400 : vector<16xf32>
      %mul3A_402 = arith.mulf %gather3A_397, %gather3A_397 : vector<16xf32>
      %add3A_403 = arith.addf %add3A_393, %mul3A_402 : vector<16xf32>
      %broadcast_in_dim3A_404 = arith.constant 21 : i32
      %broadcast_in_dim3A_405 = vector.broadcast %broadcast_in_dim3A_404 : i32 to vector<16xi32>
      %gather3A_406 = tpu.vector_load_idx %arg9[%add3A_194, %broadcast_in_dim3A_405] : memref<512x32xf32, #tpu.memory_space<vmem>>[vector<16xi32>, vector<16xi32>], vector<16xf32>,
      %gather3A_407 = tpu.vector_load_idx %arg10[%add3A_194, %broadcast_in_dim3A_405] : memref<512x32xf32, #tpu.memory_space<vmem>>[vector<16xi32>, vector<16xi32>], vector<16xf32>,
      %mul3A_408 = arith.mulf %gather3A_406, %gather3A_407 : vector<16xf32>
      %add3A_409 = arith.addf %add3A_399, %mul3A_408 : vector<16xf32>
      %mul3A_410 = arith.mulf %gather3A_406, %gather3A_406 : vector<16xf32>
      %add3A_411 = arith.addf %add3A_401, %mul3A_410 : vector<16xf32>
      %mul3A_412 = arith.mulf %gather3A_407, %gather3A_407 : vector<16xf32>
      %add3A_413 = arith.addf %add3A_403, %mul3A_412 : vector<16xf32>
      %broadcast_in_dim3A_414 = arith.constant 22 : i32
      %broadcast_in_dim3A_415 = vector.broadcast %broadcast_in_dim3A_414 : i32 to vector<16xi32>
      %gather3A_416 = tpu.vector_load_idx %arg9[%add3A_194, %broadcast_in_dim3A_415] : memref<512x32xf32, #tpu.memory_space<vmem>>[vector<16xi32>, vector<16xi32>], vector<16xf32>,
      %gather3A_417 = tpu.vector_load_idx %arg10[%add3A_194, %broadcast_in_dim3A_415] : memref<512x32xf32, #tpu.memory_space<vmem>>[vector<16xi32>, vector<16xi32>], vector<16xf32>,
      %mul3A_418 = arith.mulf %gather3A_416, %gather3A_417 : vector<16xf32>
      %add3A_419 = arith.addf %add3A_409, %mul3A_418 : vector<16xf32>
      %mul3A_420 = arith.mulf %gather3A_416, %gather3A_416 : vector<16xf32>
      %add3A_421 = arith.addf %add3A_411, %mul3A_420 : vector<16xf32>
      %mul3A_422 = arith.mulf %gather3A_417, %gather3A_417 : vector<16xf32>
      %add3A_423 = arith.addf %add3A_413, %mul3A_422 : vector<16xf32>
      %broadcast_in_dim3A_424 = arith.constant 23 : i32
      %broadcast_in_dim3A_425 = vector.broadcast %broadcast_in_dim3A_424 : i32 to vector<16xi32>
      %gather3A_426 = tpu.vector_load_idx %arg9[%add3A_194, %broadcast_in_dim3A_425] : memref<512x32xf32, #tpu.memory_space<vmem>>[vector<16xi32>, vector<16xi32>], vector<16xf32>,
      %gather3A_427 = tpu.vector_load_idx %arg10[%add3A_194, %broadcast_in_dim3A_425] : memref<512x32xf32, #tpu.memory_space<vmem>>[vector<16xi32>, vector<16xi32>], vector<16xf32>,
      %mul3A_428 = arith.mulf %gather3A_426, %gather3A_427 : vector<16xf32>
      %add3A_429 = arith.addf %add3A_419, %mul3A_428 : vector<16xf32>
      %mul3A_430 = arith.mulf %gather3A_426, %gather3A_426 : vector<16xf32>
      %add3A_431 = arith.addf %add3A_421, %mul3A_430 : vector<16xf32>
      %mul3A_432 = arith.mulf %gather3A_427, %gather3A_427 : vector<16xf32>
      %add3A_433 = arith.addf %add3A_423, %mul3A_432 : vector<16xf32>
      %broadcast_in_dim3A_434 = arith.constant 24 : i32
      %broadcast_in_dim3A_435 = vector.broadcast %broadcast_in_dim3A_434 : i32 to vector<16xi32>
      %gather3A_436 = tpu.vector_load_idx %arg9[%add3A_194, %broadcast_in_dim3A_435] : memref<512x32xf32, #tpu.memory_space<vmem>>[vector<16xi32>, vector<16xi32>], vector<16xf32>,
      %gather3A_437 = tpu.vector_load_idx %arg10[%add3A_194, %broadcast_in_dim3A_435] : memref<512x32xf32, #tpu.memory_space<vmem>>[vector<16xi32>, vector<16xi32>], vector<16xf32>,
      %mul3A_438 = arith.mulf %gather3A_436, %gather3A_437 : vector<16xf32>
      %add3A_439 = arith.addf %add3A_429, %mul3A_438 : vector<16xf32>
      %mul3A_440 = arith.mulf %gather3A_436, %gather3A_436 : vector<16xf32>
      %add3A_441 = arith.addf %add3A_431, %mul3A_440 : vector<16xf32>
      %mul3A_442 = arith.mulf %gather3A_437, %gather3A_437 : vector<16xf32>
      %add3A_443 = arith.addf %add3A_433, %mul3A_442 : vector<16xf32>
      %broadcast_in_dim3A_444 = arith.constant 25 : i32
      %broadcast_in_dim3A_445 = vector.broadcast %broadcast_in_dim3A_444 : i32 to vector<16xi32>
      %gather3A_446 = tpu.vector_load_idx %arg9[%add3A_194, %broadcast_in_dim3A_445] : memref<512x32xf32, #tpu.memory_space<vmem>>[vector<16xi32>, vector<16xi32>], vector<16xf32>,
      %gather3A_447 = tpu.vector_load_idx %arg10[%add3A_194, %broadcast_in_dim3A_445] : memref<512x32xf32, #tpu.memory_space<vmem>>[vector<16xi32>, vector<16xi32>], vector<16xf32>,
      %mul3A_448 = arith.mulf %gather3A_446, %gather3A_447 : vector<16xf32>
      %add3A_449 = arith.addf %add3A_439, %mul3A_448 : vector<16xf32>
      %mul3A_450 = arith.mulf %gather3A_446, %gather3A_446 : vector<16xf32>
      %add3A_451 = arith.addf %add3A_441, %mul3A_450 : vector<16xf32>
      %mul3A_452 = arith.mulf %gather3A_447, %gather3A_447 : vector<16xf32>
      %add3A_453 = arith.addf %add3A_443, %mul3A_452 : vector<16xf32>
      %broadcast_in_dim3A_454 = arith.constant 26 : i32
      %broadcast_in_dim3A_455 = vector.broadcast %broadcast_in_dim3A_454 : i32 to vector<16xi32>
      %gather3A_456 = tpu.vector_load_idx %arg9[%add3A_194, %broadcast_in_dim3A_455] : memref<512x32xf32, #tpu.memory_space<vmem>>[vector<16xi32>, vector<16xi32>], vector<16xf32>,
      %gather3A_457 = tpu.vector_load_idx %arg10[%add3A_194, %broadcast_in_dim3A_455] : memref<512x32xf32, #tpu.memory_space<vmem>>[vector<16xi32>, vector<16xi32>], vector<16xf32>,
      %mul3A_458 = arith.mulf %gather3A_456, %gather3A_457 : vector<16xf32>
      %add3A_459 = arith.addf %add3A_449, %mul3A_458 : vector<16xf32>
      %mul3A_460 = arith.mulf %gather3A_456, %gather3A_456 : vector<16xf32>
      %add3A_461 = arith.addf %add3A_451, %mul3A_460 : vector<16xf32>
      %mul3A_462 = arith.mulf %gather3A_457, %gather3A_457 : vector<16xf32>
      %add3A_463 = arith.addf %add3A_453, %mul3A_462 : vector<16xf32>
      %broadcast_in_dim3A_464 = arith.constant 27 : i32
      %broadcast_in_dim3A_465 = vector.broadcast %broadcast_in_dim3A_464 : i32 to vector<16xi32>
      %gather3A_466 = tpu.vector_load_idx %arg9[%add3A_194, %broadcast_in_dim3A_465] : memref<512x32xf32, #tpu.memory_space<vmem>>[vector<16xi32>, vector<16xi32>], vector<16xf32>,
      %gather3A_467 = tpu.vector_load_idx %arg10[%add3A_194, %broadcast_in_dim3A_465] : memref<512x32xf32, #tpu.memory_space<vmem>>[vector<16xi32>, vector<16xi32>], vector<16xf32>,
      %mul3A_468 = arith.mulf %gather3A_466, %gather3A_467 : vector<16xf32>
      %add3A_469 = arith.addf %add3A_459, %mul3A_468 : vector<16xf32>
      %mul3A_470 = arith.mulf %gather3A_466, %gather3A_466 : vector<16xf32>
      %add3A_471 = arith.addf %add3A_461, %mul3A_470 : vector<16xf32>
      %mul3A_472 = arith.mulf %gather3A_467, %gather3A_467 : vector<16xf32>
      %add3A_473 = arith.addf %add3A_463, %mul3A_472 : vector<16xf32>
      %broadcast_in_dim3A_474 = arith.constant 28 : i32
      %broadcast_in_dim3A_475 = vector.broadcast %broadcast_in_dim3A_474 : i32 to vector<16xi32>
      %gather3A_476 = tpu.vector_load_idx %arg9[%add3A_194, %broadcast_in_dim3A_475] : memref<512x32xf32, #tpu.memory_space<vmem>>[vector<16xi32>, vector<16xi32>], vector<16xf32>,
      %gather3A_477 = tpu.vector_load_idx %arg10[%add3A_194, %broadcast_in_dim3A_475] : memref<512x32xf32, #tpu.memory_space<vmem>>[vector<16xi32>, vector<16xi32>], vector<16xf32>,
      %mul3A_478 = arith.mulf %gather3A_476, %gather3A_477 : vector<16xf32>
      %add3A_479 = arith.addf %add3A_469, %mul3A_478 : vector<16xf32>
      %mul3A_480 = arith.mulf %gather3A_476, %gather3A_476 : vector<16xf32>
      %add3A_481 = arith.addf %add3A_471, %mul3A_480 : vector<16xf32>
      %mul3A_482 = arith.mulf %gather3A_477, %gather3A_477 : vector<16xf32>
      %add3A_483 = arith.addf %add3A_473, %mul3A_482 : vector<16xf32>
      %broadcast_in_dim3A_484 = arith.constant 29 : i32
      %broadcast_in_dim3A_485 = vector.broadcast %broadcast_in_dim3A_484 : i32 to vector<16xi32>
      %gather3A_486 = tpu.vector_load_idx %arg9[%add3A_194, %broadcast_in_dim3A_485] : memref<512x32xf32, #tpu.memory_space<vmem>>[vector<16xi32>, vector<16xi32>], vector<16xf32>,
      %gather3A_487 = tpu.vector_load_idx %arg10[%add3A_194, %broadcast_in_dim3A_485] : memref<512x32xf32, #tpu.memory_space<vmem>>[vector<16xi32>, vector<16xi32>], vector<16xf32>,
      %mul3A_488 = arith.mulf %gather3A_486, %gather3A_487 : vector<16xf32>
      %add3A_489 = arith.addf %add3A_479, %mul3A_488 : vector<16xf32>
      %mul3A_490 = arith.mulf %gather3A_486, %gather3A_486 : vector<16xf32>
      %add3A_491 = arith.addf %add3A_481, %mul3A_490 : vector<16xf32>
      %mul3A_492 = arith.mulf %gather3A_487, %gather3A_487 : vector<16xf32>
      %add3A_493 = arith.addf %add3A_483, %mul3A_492 : vector<16xf32>
      %broadcast_in_dim3A_494 = arith.constant 30 : i32
      %broadcast_in_dim3A_495 = vector.broadcast %broadcast_in_dim3A_494 : i32 to vector<16xi32>
      %gather3A_496 = tpu.vector_load_idx %arg9[%add3A_194, %broadcast_in_dim3A_495] : memref<512x32xf32, #tpu.memory_space<vmem>>[vector<16xi32>, vector<16xi32>], vector<16xf32>,
      %gather3A_497 = tpu.vector_load_idx %arg10[%add3A_194, %broadcast_in_dim3A_495] : memref<512x32xf32, #tpu.memory_space<vmem>>[vector<16xi32>, vector<16xi32>], vector<16xf32>,
      %mul3A_498 = arith.mulf %gather3A_496, %gather3A_497 : vector<16xf32>
      %add3A_499 = arith.addf %add3A_489, %mul3A_498 : vector<16xf32>
      %mul3A_500 = arith.mulf %gather3A_496, %gather3A_496 : vector<16xf32>
      %add3A_501 = arith.addf %add3A_491, %mul3A_500 : vector<16xf32>
      %mul3A_502 = arith.mulf %gather3A_497, %gather3A_497 : vector<16xf32>
      %add3A_503 = arith.addf %add3A_493, %mul3A_502 : vector<16xf32>
      %broadcast_in_dim3A_504 = arith.constant 31 : i32
      %broadcast_in_dim3A_505 = vector.broadcast %broadcast_in_dim3A_504 : i32 to vector<16xi32>
      %gather3A_506 = tpu.vector_load_idx %arg9[%add3A_194, %broadcast_in_dim3A_505] : memref<512x32xf32, #tpu.memory_space<vmem>>[vector<16xi32>, vector<16xi32>], vector<16xf32>,
      %gather3A_507 = tpu.vector_load_idx %arg10[%add3A_194, %broadcast_in_dim3A_505] : memref<512x32xf32, #tpu.memory_space<vmem>>[vector<16xi32>, vector<16xi32>], vector<16xf32>,
      %mul3A_508 = arith.mulf %gather3A_506, %gather3A_507 : vector<16xf32>
      %add3A_509 = arith.addf %add3A_499, %mul3A_508 : vector<16xf32>
      %mul3A_510 = arith.mulf %gather3A_506, %gather3A_506 : vector<16xf32>
      %add3A_511 = arith.addf %add3A_501, %mul3A_510 : vector<16xf32>
      %mul3A_512 = arith.mulf %gather3A_507, %gather3A_507 : vector<16xf32>
      %add3A_513 = arith.addf %add3A_503, %mul3A_512 : vector<16xf32>
      %mul3A_514 = arith.mulf %add3A_511, %add3A_513 : vector<16xf32>
      %bitcast_convert_type3A = tpu.bitcast %mul3A_514 : vector<16xf32> -> vector<16xi32>
      %shift_right_logical3A = arith.constant 1 : i32
      %shift_right_logical3A_515 = vector.broadcast %shift_right_logical3A : i32 to vector<16xi32>
      %shift_right_logical3A_516 = arith.shrui %bitcast_convert_type3A, %shift_right_logical3A_515 : vector<16xi32>
      %sub3A = arith.constant 1597463007 : i32
      %sub3A_517 = vector.broadcast %sub3A : i32 to vector<16xi32>
      %sub3A_518 = arith.subi %sub3A_517, %shift_right_logical3A_516 : vector<16xi32>
      %bitcast_convert_type3A_519 = tpu.bitcast %sub3A_518 : vector<16xi32> -> vector<16xf32>
      %mul3A_520 = arith.constant 5.000000e-01 : f32
      %mul3A_521 = vector.broadcast %mul3A_520 : f32 to vector<16xf32>
      %mul3A_522 = arith.mulf %mul3A_521, %mul3A_514 : vector<16xf32>
      %mul3A_523 = arith.mulf %mul3A_522, %bitcast_convert_type3A_519 : vector<16xf32>
      %mul3A_524 = arith.mulf %mul3A_523, %bitcast_convert_type3A_519 : vector<16xf32>
      %sub3A_525 = arith.constant 1.500000e+00 : f32
      %sub3A_526 = vector.broadcast %sub3A_525 : f32 to vector<16xf32>
      %sub3A_527 = arith.subf %sub3A_526, %mul3A_524 : vector<16xf32>
      %mul3A_528 = arith.mulf %bitcast_convert_type3A_519, %sub3A_527 : vector<16xf32>
      %mul3A_529 = arith.constant 5.000000e-01 : f32
      %mul3A_530 = vector.broadcast %mul3A_529 : f32 to vector<16xf32>
      %mul3A_531 = arith.mulf %mul3A_530, %mul3A_514 : vector<16xf32>
      %mul3A_532 = arith.mulf %mul3A_531, %mul3A_528 : vector<16xf32>
      %mul3A_533 = arith.mulf %mul3A_532, %mul3A_528 : vector<16xf32>
      %sub3A_534 = arith.constant 1.500000e+00 : f32
      %sub3A_535 = vector.broadcast %sub3A_534 : f32 to vector<16xf32>
      %sub3A_536 = arith.subf %sub3A_535, %mul3A_533 : vector<16xf32>
      %mul3A_537 = arith.mulf %mul3A_528, %sub3A_536 : vector<16xf32>
      %mul3A_538 = arith.constant 5.000000e-01 : f32
      %mul3A_539 = vector.broadcast %mul3A_538 : f32 to vector<16xf32>
      %mul3A_540 = arith.mulf %mul3A_539, %mul3A_514 : vector<16xf32>
      %mul3A_541 = arith.mulf %mul3A_540, %mul3A_537 : vector<16xf32>
      %mul3A_542 = arith.mulf %mul3A_541, %mul3A_537 : vector<16xf32>
      %sub3A_543 = arith.constant 1.500000e+00 : f32
      %sub3A_544 = vector.broadcast %sub3A_543 : f32 to vector<16xf32>
      %sub3A_545 = arith.subf %sub3A_544, %mul3A_542 : vector<16xf32>
      %mul3A_546 = arith.mulf %mul3A_537, %sub3A_545 : vector<16xf32>
      %min3A = arith.constant 1.000000e+00 : f32
      %min3A_547 = vector.broadcast %min3A : f32 to vector<16xf32>
      %min3A_548 = arith.minimumf %add3A_511, %min3A_547 : vector<16xf32>
      %min3A_549 = arith.constant 1.000000e+00 : f32
      %min3A_550 = vector.broadcast %min3A_549 : f32 to vector<16xf32>
      %min3A_551 = arith.minimumf %add3A_513, %min3A_550 : vector<16xf32>
      %mul3A_552 = arith.mulf %min3A_548, %min3A_551 : vector<16xf32>
      %bitcast_convert_type3A_553 = tpu.bitcast %mul3A_552 : vector<16xf32> -> vector<16xi32>
      %shift_right_logical3A_554 = arith.constant 1 : i32
      %shift_right_logical3A_555 = vector.broadcast %shift_right_logical3A_554 : i32 to vector<16xi32>
      %shift_right_logical3A_556 = arith.shrui %bitcast_convert_type3A_553, %shift_right_logical3A_555 : vector<16xi32>
      %sub3A_557 = arith.constant 1597463007 : i32
      %sub3A_558 = vector.broadcast %sub3A_557 : i32 to vector<16xi32>
      %sub3A_559 = arith.subi %sub3A_558, %shift_right_logical3A_556 : vector<16xi32>
      %bitcast_convert_type3A_560 = tpu.bitcast %sub3A_559 : vector<16xi32> -> vector<16xf32>
      %mul3A_561 = arith.constant 5.000000e-01 : f32
      %mul3A_562 = vector.broadcast %mul3A_561 : f32 to vector<16xf32>
      %mul3A_563 = arith.mulf %mul3A_562, %mul3A_552 : vector<16xf32>
      %mul3A_564 = arith.mulf %mul3A_563, %bitcast_convert_type3A_560 : vector<16xf32>
      %mul3A_565 = arith.mulf %mul3A_564, %bitcast_convert_type3A_560 : vector<16xf32>
      %sub3A_566 = arith.constant 1.500000e+00 : f32
      %sub3A_567 = vector.broadcast %sub3A_566 : f32 to vector<16xf32>
      %sub3A_568 = arith.subf %sub3A_567, %mul3A_565 : vector<16xf32>
      %mul3A_569 = arith.mulf %bitcast_convert_type3A_560, %sub3A_568 : vector<16xf32>
      %mul3A_570 = arith.constant 5.000000e-01 : f32
      %mul3A_571 = vector.broadcast %mul3A_570 : f32 to vector<16xf32>
      %mul3A_572 = arith.mulf %mul3A_571, %mul3A_552 : vector<16xf32>
      %mul3A_573 = arith.mulf %mul3A_572, %mul3A_569 : vector<16xf32>
      %mul3A_574 = arith.mulf %mul3A_573, %mul3A_569 : vector<16xf32>
      %sub3A_575 = arith.constant 1.500000e+00 : f32
      %sub3A_576 = vector.broadcast %sub3A_575 : f32 to vector<16xf32>
      %sub3A_577 = arith.subf %sub3A_576, %mul3A_574 : vector<16xf32>
      %mul3A_578 = arith.mulf %mul3A_569, %sub3A_577 : vector<16xf32>
      %mul3A_579 = arith.constant 5.000000e-01 : f32
      %mul3A_580 = vector.broadcast %mul3A_579 : f32 to vector<16xf32>
      %mul3A_581 = arith.mulf %mul3A_580, %mul3A_552 : vector<16xf32>
      %mul3A_582 = arith.mulf %mul3A_581, %mul3A_578 : vector<16xf32>
      %mul3A_583 = arith.mulf %mul3A_582, %mul3A_578 : vector<16xf32>
      %sub3A_584 = arith.constant 1.500000e+00 : f32
      %sub3A_585 = vector.broadcast %sub3A_584 : f32 to vector<16xf32>
      %sub3A_586 = arith.subf %sub3A_585, %mul3A_583 : vector<16xf32>
      %mul3A_587 = arith.mulf %mul3A_578, %sub3A_586 : vector<16xf32>
      %mul3A_588 = arith.mulf %mul3A_552, %mul3A_587 : vector<16xf32>
      %lt3A = arith.constant 1.000000e-16 : f32
      %lt3A_589 = vector.broadcast %lt3A : f32 to vector<16xf32>
      %lt3A_590 = arith.cmpf olt, %mul3A_552, %lt3A_589 : vector<16xf32>
      %mul3A_591 = arith.constant 1.000000e+08 : f32
      %mul3A_592 = vector.broadcast %mul3A_591 : f32 to vector<16xf32>
      %mul3A_593 = arith.mulf %mul3A_588, %mul3A_592 : vector<16xf32>
      %jit3A = arith.constant 1.000000e+00 : f32
      %broadcast_in_dim3A_594 = vector.broadcast %jit3A : f32 to vector<16xf32>
      %select_n3A = arith.select %lt3A_590, %mul3A_593, %broadcast_in_dim3A_594 : vector<16xi1>, vector<16xf32>
      %mul3A_595 = arith.mulf %add3A_509, %mul3A_546 : vector<16xf32>
      %mul3A_596 = arith.mulf %mul3A_595, %select_n3A : vector<16xf32>
      %mul3A_597 = arith.constant 2.000000e+00 : f32
      %mul3A_598 = vector.broadcast %mul3A_597 : f32 to vector<16xf32>
      %mul3A_599 = arith.mulf %mul3A_596, %mul3A_598 : vector<16xf32>
      %add3A_600 = arith.constant 3.000000e+00 : f32
      %add3A_601 = vector.broadcast %add3A_600 : f32 to vector<16xf32>
      %add3A_602 = arith.addf %mul3A_599, %add3A_601 : vector<16xf32>
      %mul3A_603 = arith.constant 16 : i32
      %mul3A_604 = arith.muli %scan3A_190, %mul3A_603 : i32
      %swap3A = arith.index_cast %mul3A_604 : i32 to index
      %swap3A_605 = tpu.vector_load %arg11[%swap3A] {strides = array<i32>} : memref<512xf32, #tpu.memory_space<vmem>>, vector<16xf32>,
      tpu.vector_store %arg11[%swap3A], %add3A_602 {strides = array<i32>} : memref<512xf32, #tpu.memory_space<vmem>>, vector<16xf32>,
    }
    %scan3A_189 = arith.constant 32 : i32
    "tpu.region"() ({
      %run_scoped3A_190 = tpu.sem_alloc : memref<!tpu.dma_semaphore, #tpu.memory_space<semaphore_mem>>
      %dma_start3A_191 = tpu.memref_slice %arg6[%mul3A_2] : memref<16384xf32, #tpu.memory_space<hbm>> -> memref<512xf32, #tpu.memory_space<hbm>>
      %dma_start3A_192 = tpu.memref_slice %arg6[%mul3A_2] : memref<16384xf32, #tpu.memory_space<hbm>> -> memref<512xf32, #tpu.memory_space<hbm>>
      tpu.enqueue_dma source(%arg11 : memref<512xf32, #tpu.memory_space<vmem>>) target(%dma_start3A_192 : memref<512xf32, #tpu.memory_space<hbm>>) target_semaphore(%run_scoped3A_190 : memref<!tpu.dma_semaphore, #tpu.memory_space<semaphore_mem>>)
      %dma_wait3A_193 = tpu.memref_slice %arg6[%mul3A_2] : memref<16384xf32, #tpu.memory_space<hbm>> -> memref<512xf32, #tpu.memory_space<hbm>>
      %dma_wait3A_194 = tpu.memref_slice %arg6[%mul3A_2] : memref<16384xf32, #tpu.memory_space<hbm>> -> memref<512xf32, #tpu.memory_space<hbm>>
      tpu.wait_dma2 semaphore(%run_scoped3A_190 : memref<!tpu.dma_semaphore, #tpu.memory_space<semaphore_mem>>) src(%arg11 : memref<512xf32, #tpu.memory_space<vmem>>) dst(%dma_wait3A_194 : memref<512xf32, #tpu.memory_space<hbm>>)
      tpu.yield
    }) : () -> ()
    return
  }
}

</mosaic_0001>

<sc_bundles>
// kernel: kernel.3.cloned.1.call-start
scs
__scs_entry_jumppad:
0x0: {  	(pc) =	sbr.rel $0x88, $3  }
0x1: {  	(tag) =	ssettag $0x0;
	lr =	simm.s32 $0x1  }
0x2: {  	[smem:$0x3F9D] =	sst lr;
	_ =	strace $0xD0000000  }
0x3: {  	_ = 	snop  }
0x4: {  	_ = 	snop  }
0x5: {  	_ = 	snop  }
0x6: {  	_ = 	snop  }
0x7: {  	_ = 	snop  }
__scs_overlays_trampoline_lowered:
0x8: {  	[smem:$0x3FAC] =	sst s0  }
0x9: {  	[smem:$0x3FAD] =	sst s1  }
0xa: {  	[smem:$0x3FAE] =	sst s2  }
0xb: {  	[smem:$0x3FAF] =	sst s3  }
0xc: {  	[smem:$0x3FB0] =	sst s4  }
0xd: {  	[smem:$0x3FB1] =	sst s5  }
0xe: {  	[smem:$0x3FB2] =	sst s6  }
0xf: {  	[smem:$0x3FB3] =	sst s7  }
0x10: {  	[smem:$0x3FB4] =	sst s8  }
0x11: {  	[smem:$0x3FB5] =	sst s9;
	s0 =	simm.s32 @!p0 $0x0  }
0x12: {  	s1 =	sld [smem:$0x3F9B];
	s0 =	simm.s32 @p0 $0x1  }
0x13: {  	[smem:$0x3FB6] =	sst s0;
	s0 =	simm.s32 @!p1 $0x0  }
0x14: {  	s2 =	sld [smem:$0x3F9A];
	s0 =	simm.s32 @p1 $0x1  }
0x15: {  	[smem:$0x3FB7] =	sst s0;
	s0 =	simm.s32 @!p2 $0x0  }
0x16: {  	s3 =	sld [smem:$0x3FDB];
	s0 =	simm.s32 @p2 $0x1  }
0x17: {  	s4 =	simm.s32 $0x1BF5;
	[smem:$0x3FB9] =	sst s0  }
0x18: {  	s0 =	sld [smem:$0x3F9C];
	_ =	swait.ge [sflag:s4], $0x0  }
0x19: {  	s7 =	sld [smem:$0x3F9D]  }
0x1a: {  	s8 =	sadd.s32 $0xFFFFE003, lr  }
0x1b: {  	s9 =	sadd.s32 $0xFFFFFEF7, lr;
	s5 =	simm.s32 $0xFFFFFFFF;
	p2 =	slt.u32 s8, $0xFFFFF086  }
0x1c: {  	p1 =	slt.u32 s9, $0xF7A;
	s5 =	simm.s32 @!p2 $0x0  }
0x1d: {  	s5 =	simm.s32 @p1 $0x1;
	p0 =	seq.s32 s7, s2  }
0x1e: {  	s7 =	smul.u32 @!p0 $0xF7A, s2;
	p2 =	seq.s32 @!p0 s5, $0x0  }
0x1f: {  	s9 =	smul.u32 $0xF7A, s1;
	s8 =	simm.s32 @!p0 $0x1BF5;
	p2 =	por !p2, p0  }
0x20: {  	[sflag:s8] =	ssyncset.s32 @!p0 $0xFFFFF086;
	s6 =	sadd.s32 @!p0 s3, s7;
	s7 =	simm.s32 @!p0 $0x108  }
0x21: {  	s3 =	sadd.s32 s3, s9;
	s6 =	sadd.s32 @!p0 $0x88, s6;
	s7 =	simm.s32 @p2 $0x1082  }
0x22: {  	[simem:s7], [sflag:s8] =	dma.local @!p0 [hbm:s6], $0xF7A  }
0x23: {  	s9 =	sor.u32 $0xD0000000, s2;
	s6 =	simm.s32 $0x108;
	_ =	swait.ge @!p0 [sflag:s8], $0x0  }
0x24: {  	s3 =	sadd.s32 $0x88, s3;
	s6 =	simm.s32 @!p1 $0x1082;
	[sflag:s4] =	ssyncset.s32 $0xFFFFF086  }
0x25: {  	[simem:s6], [sflag:s4] =	dma.local [hbm:s3], $0xF7A  }
0x26: {  	[smem:$0x3F9D] =	sst s1;
	(tag) =	ssettag s2;
	_ =	strace s9  }
0x27: {  	s1 =	sld [smem:$0x3FAD]  }
0x28: {  	s2 =	sld [smem:$0x3FAE]  }
0x29: {  	s4 =	sld [smem:$0x3FB0]  }
0x2a: {  	p0 =	seq.s32 s5, $0x0;
	s5 =	sld [smem:$0x3FB1]  }
0x2b: {  	s6 =	sld [smem:$0x3FB2]  }
0x2c: {  	s7 =	sld [smem:$0x3FB3]  }
0x2d: {  	s3 =	simm.s32 $0x108;
	s8 =	sld [smem:$0x3FB4]  }
0x2e: {  	s3 =	simm.s32 @!p0 $0x1082;
	s9 =	sld [smem:$0x3FB5]  }
0x2f: {  	lr =	sadd.s32 s0, s3;
	s0 =	sld [smem:$0x3FAC]  }
0x30: {  	s3 =	sld [smem:$0x3FAF]  }
0x31: {  	[smem:$0x3FB8] =	sst s10  }
0x32: {  	s10 =	sld [smem:$0x3FB6];
	_ =	sdelay $0x3  }
0x33: {  	p0 =	seq.s32 s10, $0x1;
	s10 =	sld [smem:$0x3FB8];
	_ =	sdelay $0x3  }
0x34: {  	[smem:$0x3FB8] =	sst s10  }
0x35: {  	s10 =	sld [smem:$0x3FB7];
	_ =	sdelay $0x3  }
0x36: {  	p1 =	seq.s32 s10, $0x1;
	s10 =	sld [smem:$0x3FB8];
	_ =	sdelay $0x3  }
0x37: {  	[smem:$0x3FB8] =	sst s10  }
0x38: {  	s10 =	sld [smem:$0x3FB9]  }
0x39: {  	_ = 	snop;
	(pc) =	sbr.ind lr, $3  }
0x3a: {  	_ = 	snop  }
0x3b: {  	_ = 	snop  }
0x3c: {  	p2 =	seq.s32 s10, $0x1;
	s10 =	sld [smem:$0x3FB8]  }
0x3d: {  	_ =	shalt  }
0x3e: {  	_ =	shalt  }
0x3f: {  	_ =	shalt  }
0x40: {  	_ =	shalt  }
0x41: {  	_ =	shalt  }
0x42: {  	_ =	shalt  }
0x43: {  	_ =	shalt  }
0x44: {  	_ =	shalt  }
0x45: {  	_ =	shalt  }
0x46: {  	_ =	shalt  }
0x47: {  	_ =	shalt  }
0x48: {  	_ =	shalt  }
0x49: {  	_ =	shalt  }
0x4a: {  	_ =	shalt  }
0x4b: {  	_ =	shalt  }
0x4c: {  	_ =	shalt  }
0x4d: {  	_ =	shalt  }
0x4e: {  	_ =	shalt  }
0x4f: {  	_ =	shalt  }
0x50: {  	_ =	shalt  }
0x51: {  	_ =	shalt  }
0x52: {  	_ =	shalt  }
0x53: {  	_ =	shalt  }
0x54: {  	_ =	shalt  }
0x55: {  	_ =	shalt  }
0x56: {  	_ =	shalt  }
0x57: {  	_ =	shalt  }
0x58: {  	_ =	shalt  }
0x59: {  	_ =	shalt  }
0x5a: {  	_ =	shalt  }
0x5b: {  	_ =	shalt  }
0x5c: {  	_ =	shalt  }
0x5d: {  	_ =	shalt  }
0x5e: {  	_ =	shalt  }
0x5f: {  	_ =	shalt  }
0x60: {  	_ =	shalt  }
0x61: {  	_ =	shalt  }
0x62: {  	_ =	shalt  }
0x63: {  	_ =	shalt  }
0x64: {  	_ =	shalt  }
0x65: {  	_ =	shalt  }
0x66: {  	_ =	shalt  }
0x67: {  	_ =	shalt  }
0x68: {  	_ =	shalt  }
0x69: {  	_ =	shalt  }
0x6a: {  	_ =	shalt  }
0x6b: {  	_ =	shalt  }
0x6c: {  	_ =	shalt  }
0x6d: {  	_ =	shalt  }
0x6e: {  	_ =	shalt  }
0x6f: {  	_ =	shalt  }
0x70: {  	_ =	shalt  }
0x71: {  	_ =	shalt  }
0x72: {  	_ =	shalt  }
0x73: {  	_ =	shalt  }
0x74: {  	_ =	shalt  }
0x75: {  	_ =	shalt  }
0x76: {  	_ =	shalt  }
0x77: {  	_ =	shalt  }
0x78: {  	_ =	shalt  }
0x79: {  	_ =	shalt  }
0x7a: {  	_ =	shalt  }
0x7b: {  	_ =	shalt  }
0x7c: {  	_ =	shalt  }
0x7d: {  	_ =	shalt  }
0x7e: {  	_ =	shalt  }
0x7f: {  	_ =	shalt  }
0x80: {  	_ =	shalt  }
0x81: {  	_ =	shalt  }
0x82: {  	_ =	shalt  }
0x83: {  	_ =	shalt  }
0x84: {  	_ =	shalt  }
0x85: {  	_ =	shalt  }
0x86: {  	_ =	shalt  }
0x87: {  	_ =	shalt  }
.Lfunc_end0:
.L_simem_size_0:
called_computation_lowered:
.L_overlay_start_0:
0x88: {  	s2 =	sld [smem:$0x3FD9]  }
0x89: {  	s3 =	sld [smem:$0x3FFE];
	_ =	sdelay $0x1  }
0x8a: {  	s1 =	srdreg.scid  }
0x8b: {  	s0 =	sand.u32 $0x1, s1  }
0x8c: {  	s17 =	sshll.u32 s0, $0xA;
	s2 =	sadd.s32 s3, s2  }
0x8d: {  	s2 =	sadd.s32 s2, s17  }
0x8e: {  	[smem:$0x3FC4] =	sst s2  }
0x8f: {  	_ = 	snop  }
0x90: {  	s2 =	sld [smem:$0x3FC9]  }
0x91: {  	s18 =	sld [smem:$0x3FC8]  }
0x92: {  	s4 =	sld [smem:$0x3FD0];
	(tm) =	ssettm $0x1  }
0x93: {  	s5 =	sld [smem:$0x3FFB];
	_ =	sdelay $0x3  }
0x94: {  	_ =	strace s5  }
0x95: {  	s5 =	sld [smem:$0x3FFC];
	_ =	sdelay $0x3  }
0x96: {  	_ =	strace s5  }
0x97: {  	s5 =	sld [smem:$0x3FFD];
	_ =	sdelay $0x3  }
0x98: {  	_ =	strace s5  }
0x99: {  	_ =	strace $0x8FFFFFFF  }
0x9a: {  	s19 =	sld [smem:$0x3FDB];
	_ =	sdelay $0x1  }
0x9b: {  	s6 =	simm.s32 $_scs_section_size  }
0x9c: {  	s7 =	simm.s32 $_size__tile_overlayer_lowered;
	s8 =	simm.s32 $_tile_overlayer_lowered  }
0x9d: {  	s22 =	simm.s32 $0x1BFF;
	s21 =	sshll.u32 s8, $0x1;
	s5 =	sadd.s32 s6, s19  }
0x9e: {  	s9 =	simm.s32 $0x0;
	s20 =	sshll.u32 s7, $0x1;
	s7 =	sadd.s32 s21, s5  }
0x9f: {  	[timem:s9], [sflag:s22] =	dma.local [hbm:s7], s20  }
0xa0: {  	_ =	swait.ge [sflag:s22], s20  }
0xa1: {  	s6 =	ssub.s32 $0x0, s20;
	[sflag:s22] =	ssyncset.done $0x0  }
0xa2: {  	[sflag:s22] =	ssyncadd.s32 s6;
	_ =	sdelay $0x1  }
0xa3: {  	s23 =	simm.s32 $0x1B8B  }
0xa4: {  	_ =	swait.ge [sflag:s23], $0x1  }
0xa5: {  	[sflag:s23] =	ssyncset.done $0x0  }
0xa6: {  	s25 =	simm.s32 $0x1B8E;
	s24 =	sld [smem:$0x3FFE];
	[sflag:s23] =	ssyncadd.s32 $0xFFFFFFFF  }
0xa7: {  	s26 =	simm.s32 $execute0_lowered;
	[smem:$0x3FD2] =	sst s25  }
0xa8: {  	s7 =	sshll.u32 s26, $0x1;
	_ =	strace $0x80000046;
	[dreg:$0x1] =	wrdreg $0xFFFFFFFF  }
0xa9: {  	s28 =	simm.s32 $_size_execute0_lowered;
	s5 =	sadd.s32 s5, s7;
	[dreg:$0x0] =	wrdreg $0x0  }
0xaa: {  	s7 =	sshll.u32 s28, $0x1;
	[dreg:$0x2] =	wrdreg s5  }
0xab: {  	[dreg:$0x3] =	wrdreg s7  }
0xac: {  	[dreg:$0x4] =	wrdreg $0xC0  }
0xad: {  	_ =	task [dreg:s9], $0x5FFFF  }
0xae: {  	[dreg:$0x1] =	wrdreg $0xFFFFFFFF  }
0xaf: {  	[dreg:$0x0] =	wrdreg $0x60  }
0xb0: {  	[dreg:$0x2] =	wrdreg s2  }
0xb1: {  	[dreg:$0x3] =	wrdreg s18  }
0xb2: {  	[dreg:$0x4] =	wrdreg s24  }
0xb3: {  	[dreg:$0x5] =	wrdreg s4  }
0xb4: {  	[dreg:$0x6] =	wrdreg $0x9  }
0xb5: {  	_ =	task.clear_ibuf [dreg:s9], $0x7FFFF;
	_ =	strace $0x90000046  }
0xb6: {  	s29 =	simm.s32 $0x9;
	_ =	strace $0x80000048  }
0xb7: {  	_ =	swait.ge [sflag:s29], $0x1  }
0xb8: {  	[sflag:s29] =	ssyncadd.s32 $0xFFFFFFFF  }
0xb9: {  	_ =	strace $0x90000048  }
0xba: {  	_ =	sfence  }
0xbb: {  	s30 =	sld [smem:$0x0];
	_ =	sdelay $0x2  }
0xbc: {  	s31 =	sshll.u32 s1, $0xD;
	s1 =	sshrl.u32 s1, $0x2  }
0xbd: {  	s3 =	sand.u32 $0x4000, s31;
	s1 =	sadd.s32 s1, s30  }
0xbe: {  	s0 =	sor.u32 s3, s0;
	s1 =	sshll.u32 s1, $0x11  }
0xbf: {  	s0 =	sor.u32 s1, s0  }
0xc0: {  	s0 =	sadd.s32 $0x8F2B, s0  }
0xc1: {  	[sflag:s0] =	ssyncadd.remote.s32 $0x1  }
0xc2: {  	_ =	sfence.sel $0xFFFF  }
0xc3: {  	[dreg:$0x0] =	wrdreg $0xFFFFFFFF;
	(pc) =	sbr.abs _section_cstart, $3  }
0xc4: {  	[dreg:$0x1] =	wrdreg $0xFFFFFFFF  }
0xc5: {  	_ =	task.clear_ibuf [dreg:s9], $0x2FFFF;
	_ =	strace $0x9FFFFFFF  }
0xc6: {  	(tm) =	ssettm $0x7FFFFFFF  }
0xc7: {  	_ =	shalt  }
tec
execute0_lowered:
.L_overlay_start_1:
0x0: {  	(tag) =	ssettag $0x1  }
0x1: {  	s0 =	rddreg [dreg:$0x0]  }
0x2: {  	s2 =	rddreg [dreg:$0x1]  }
0x3: {  	s4 =	rddreg [dreg:$0x2]  }
0x4: {  	s13 =	rddreg [dreg:$0x3];
	s1 =	simm.s32 $0x0;
	s5 =	srdreg.scid  }
0x5: {  	s7 =	stileid.u32;
	s16 =	simm.s32 $0x200;
	s17 =	simm.s32 $0x80  }
0x6: {  	s18 =	simm.s32 $0x280;
	s19 =	simm.s32 $0x100;
	s20 =	simm.s32 $0x300  }
0x7: {  	s21 =	simm.s32 $0x180;
	s22 =	simm.s32 $0x380;
	s23 =	simm.s32 $0x400  }
0x8: {  	s24 =	simm.s32 $0x4400;
	s31 =	simm.s32 $0x7400;
	s25 =	simm.s32 $0x0  }
0x9: {  	[smem:$0x7FF] =	sst s1;
	s3 =	sadd.s32 $0xF42800, s4;
	s5 =	sand.u32 $0x1, s5  }
0xa: {  	s7 =	sshll.u32 s7, $0x7;
	s6 =	ssub.s32 $0x2, s5;
	s5 =	sshll.u32 s5, $0x6  }
0xb: {  	s4 =	sadd.s32 $0x1313200, s4;
	s8 =	sshrl.u32 s6, $0x1;
	s14 =	sor.u32 s5, s7  }
0xc: {  	_ =	strace $0x80000047;
	s15 =	ssub.s32 s6, s8;
	s5 =	sadd.s32 s0, s14  }
0xd: {  	s30 =	sor.u32 $0x10, s14;
	s6 =	sadd.s32 s2, s14;
	s10 =	sor.u32 $0x20, s14  }
0xe: {  	s12 =	sor.u32 $0x30, s14;
	s13 =	sadd.s32 s13, s14;
	s7 =	sadd.s32 s0, s30  }
0xf: {  	s8 =	sadd.s32 s2, s30;
	s9 =	sadd.s32 s0, s10;
	s10 =	sadd.s32 s2, s10  }
0x10: {  	v0 =	vlaneseq.u32;
	s11 =	sadd.s32 s0, s12;
	s12 =	sadd.s32 s2, s12;
	s14 =	smax.u32 s15, $0x1  }
0x11: {  	v0 =	vmul.u32 $0x20, v0;
	s15 =	simm.s32 $0x2;
	s0 =	simm.s32 $0x1;
	s2 =	simm.s32 $0x8400  }
.LBB2_1:
0x12: {  	[tilespmem:s1], [sflag:$0x2] =	stream.linear.gather [hbm4b:s5+s1], $0x80, $0x38;
	[tilespmem:$0x8600] =	vst v63  }
0x13: {  	_ =	swait.ge [sflag:s15], $0x80  }
0x14: {  	[sflag:s15] =	ssyncset.done $0x0  }
0x15: {  	[sflag:s15] =	ssyncadd.s32 $0xFFFFFF80  }
0x16: {  	[tilespmem:s16], [sflag:$0x2] =	stream.linear.gather [hbm4b:s6+s1], $0x80, $0x38;
	[tilespmem:$0x8600] =	vst v63  }
0x17: {  	_ =	swait.ge [sflag:s15], $0x80  }
0x18: {  	[sflag:s15] =	ssyncset.done $0x0  }
0x19: {  	[sflag:s15] =	ssyncadd.s32 $0xFFFFFF80  }
0x1a: {  	[tilespmem:s17], [sflag:$0x2] =	stream.linear.gather [hbm4b:s7+s1], $0x80, $0x38;
	[tilespmem:$0x8600] =	vst v63  }
0x1b: {  	_ =	swait.ge [sflag:s15], $0x80  }
0x1c: {  	[sflag:s15] =	ssyncset.done $0x0  }
0x1d: {  	[sflag:s15] =	ssyncadd.s32 $0xFFFFFF80  }
0x1e: {  	[tilespmem:s18], [sflag:$0x2] =	stream.linear.gather [hbm4b:s8+s1], $0x80, $0x38;
	[tilespmem:$0x8600] =	vst v63  }
0x1f: {  	_ =	swait.ge [sflag:s15], $0x80  }
0x20: {  	[sflag:s15] =	ssyncset.done $0x0  }
0x21: {  	[sflag:s15] =	ssyncadd.s32 $0xFFFFFF80  }
0x22: {  	[tilespmem:s19], [sflag:$0x2] =	stream.linear.gather [hbm4b:s9+s1], $0x80, $0x38;
	[tilespmem:$0x8600] =	vst v63  }
0x23: {  	_ =	swait.ge [sflag:s15], $0x80  }
0x24: {  	[sflag:s15] =	ssyncset.done $0x0  }
0x25: {  	[sflag:s15] =	ssyncadd.s32 $0xFFFFFF80  }
0x26: {  	[tilespmem:s20], [sflag:$0x2] =	stream.linear.gather [hbm4b:s10+s1], $0x80, $0x38;
	[tilespmem:$0x8600] =	vst v63  }
0x27: {  	_ =	swait.ge [sflag:s15], $0x80  }
0x28: {  	[sflag:s15] =	ssyncset.done $0x0  }
0x29: {  	[sflag:s15] =	ssyncadd.s32 $0xFFFFFF80  }
0x2a: {  	[tilespmem:s21], [sflag:$0x2] =	stream.linear.gather [hbm4b:s11+s1], $0x80, $0x38;
	[tilespmem:$0x8600] =	vst v63  }
0x2b: {  	_ =	swait.ge [sflag:s15], $0x80  }
0x2c: {  	[sflag:s15] =	ssyncset.done $0x0  }
0x2d: {  	[sflag:s15] =	ssyncadd.s32 $0xFFFFFF80  }
0x2e: {  	[tilespmem:s22], [sflag:$0x2] =	stream.linear.gather [hbm4b:s12+s1], $0x80, $0x38;
	[tilespmem:$0x8600] =	vst v63  }
0x2f: {  	_ =	swait.ge [sflag:s15], $0x80  }
0x30: {  	[sflag:s15] =	ssyncset.done $0x0  }
0x31: {  	[sflag:s15] =	ssyncadd.s32 $0xFFFFFF80  }
0x32: {  	[tilespmem:s23], [sflag:$0x1] =	stream.indirect.gather [hbm4b:s3+s17], $0x20, s1, s17, $0xb8;
	[tilespmem:$0x8600] =	vst v63  }
0x33: {  	_ = 	snop  }
0x34: {  	[tilespmem:s24], [sflag:$0x1] =	stream.indirect.gather [hbm4b:s4+s17], $0x20, s16, s17, $0xb8;
	[tilespmem:$0x8600] =	vst v63  }
0x35: {  	s26 =	simm.s32 $0x1400  }
0x36: {  	[tilespmem:s26], [sflag:$0x1] =	stream.indirect.gather [hbm4b:s3+s17], $0x20, s17, s17, $0xb8;
	[tilespmem:$0x8600] =	vst v63  }
0x37: {  	s30 =	simm.s32 $0x5400  }
0x38: {  	[tilespmem:s30], [sflag:$0x1] =	stream.indirect.gather [hbm4b:s4+s17], $0x20, s18, s17, $0xb8;
	[tilespmem:$0x8600] =	vst v63  }
0x39: {  	s30 =	simm.s32 $0x2400  }
0x3a: {  	[tilespmem:s30], [sflag:$0x1] =	stream.indirect.gather [hbm4b:s3+s17], $0x20, s19, s17, $0xb8;
	[tilespmem:$0x8600] =	vst v63  }
0x3b: {  	s30 =	simm.s32 $0x6400  }
0x3c: {  	[tilespmem:s30], [sflag:$0x1] =	stream.indirect.gather [hbm4b:s4+s17], $0x20, s20, s17, $0xb8;
	[tilespmem:$0x8600] =	vst v63  }
0x3d: {  	s30 =	simm.s32 $0x3400  }
0x3e: {  	[tilespmem:s30], [sflag:$0x1] =	stream.indirect.gather [hbm4b:s3+s17], $0x20, s21, s17, $0xb8;
	[tilespmem:$0x8600] =	vst v63  }
0x3f: {  	_ = 	snop  }
0x40: {  	[tilespmem:s31], [sflag:$0x1] =	stream.indirect.gather [hbm4b:s4+s17], $0x20, s22, s17, $0xb8;
	[tilespmem:$0x8600] =	vst v63  }
0x41: {  	_ =	swait.ge [sflag:s0], $0x1000  }
0x42: {  	[sflag:s0] =	ssyncset.done $0x0  }
0x43: {  	[sflag:s0] =	ssyncadd.s32 $0xFFFFF000  }
0x44: {  	_ =	swait.ge [sflag:s0], $0x1000  }
0x45: {  	[sflag:s0] =	ssyncset.done $0x0  }
0x46: {  	[sflag:s0] =	ssyncadd.s32 $0xFFFFF000  }
0x47: {  	_ =	swait.ge [sflag:s0], $0x1000  }
0x48: {  	[sflag:s0] =	ssyncset.done $0x0  }
0x49: {  	[sflag:s0] =	ssyncadd.s32 $0xFFFFF000  }
0x4a: {  	_ =	swait.ge [sflag:s0], $0x1000  }
0x4b: {  	[sflag:s0] =	ssyncset.done $0x0  }
0x4c: {  	[sflag:s0] =	ssyncadd.s32 $0xFFFFF000  }
0x4d: {  	_ =	swait.ge [sflag:s0], $0x1000  }
0x4e: {  	[sflag:s0] =	ssyncset.done $0x0  }
0x4f: {  	[sflag:s0] =	ssyncadd.s32 $0xFFFFF000  }
0x50: {  	_ =	swait.ge [sflag:s0], $0x1000  }
0x51: {  	[sflag:s0] =	ssyncset.done $0x0  }
0x52: {  	v1 =	vmov s1;
	[sflag:s0] =	ssyncadd.s32 $0xFFFFF000  }
0x53: {  	v1 =	vshll.u32 v1, $0x5;
	_ =	swait.ge [sflag:s0], $0x1000  }
0x54: {  	v15 =	vor.u32 v0, v1;
	[sflag:s0] =	ssyncset.done $0x0  }
0x55: {  	[sflag:s0] =	ssyncadd.s32 $0xFFFFF000  }
0x56: {  	v14 =	vor.u32 $0x1, v15;
	_ =	swait.ge [sflag:s0], $0x1000  }
0x57: {  	v16 =	vor.u32 $0x2, v15;
	[sflag:s0] =	ssyncset.done $0x0  }
0x58: {  	v2 =	vor.u32 $0x1E, v15;
	v1 =	vor.u32 $0x1F, v15;
	v5 =	vor.u32 $0x1B, v15;
	[sflag:s0] =	ssyncadd.s32 $0xFFFFF000  }
0x59: {  	v4 =	vor.u32 $0x1C, v15;
	v3 =	vor.u32 $0x1D, v15;
	v8 =	vor.u32 $0x18, v15;
	v17 =	vld.idx.msk [tilespmem:v15+s23+$0x0], $0xffff  }
0x5a: {  	v7 =	vor.u32 $0x19, v15;
	v6 =	vor.u32 $0x1A, v15;
	v18 =	vor.u32 $0x3, v15;
	v19 =	vld.idx.msk [tilespmem:v15+s24+$0x0], $0xffff  }
0x5b: {  	v10 =	vor.u32 $0x16, v15;
	v9 =	vor.u32 $0x17, v15;
	v13 =	vor.u32 $0x13, v15;
	v20 =	vld.idx.msk [tilespmem:v14+s23+$0x0], $0xffff  }
0x5c: {  	v12 =	vor.u32 $0x14, v15;
	v11 =	vor.u32 $0x15, v15;
	v21 =	vor.u32 $0x4, v15;
	v22 =	vld.idx.msk [tilespmem:v14+s24+$0x0], $0xffff  }
0x5d: {  	v23 =	vor.u32 $0x11, v15;
	v24 =	vor.u32 $0xE, v15;
	v26 =	vor.u32 $0xF, v15;
	v25 =	vld.idx.msk [tilespmem:v16+s23+$0x0], $0xffff  }
0x5e: {  	v27 =	vor.u32 $0x10, v15;
	v28 =	vor.u32 $0x5, v15;
	v29 =	vor.u32 $0xC, v15;
	v16 =	vld.idx.msk [tilespmem:v16+s24+$0x0], $0xffff  }
0x5f: {  	v30 =	vor.u32 $0xD, v15;
	v31 =	vor.u32 $0x9, v15;
	v33 =	vor.u32 $0xA, v15;
	v32 =	vld.idx.msk [tilespmem:v18+s23+$0x0], $0xffff  }
0x60: {  	v34 =	vor.u32 $0xB, v15;
	v36 =	vor.u32 $0x6, v15;
	v18 =	vld.idx.msk [tilespmem:v18+s24+$0x0], $0xffff;
	v35 =	vmul.f32 v19, v17  }
0x61: {  	v38 =	vor.u32 $0x8, v15;
	v39 =	vld.idx.msk [tilespmem:v21+s23+$0x0], $0xffff;
	v17 =	vmul.f32 v17, v17;
	v37 =	vmul.f32 v20, v20  }
0x62: {  	v14 =	vor.u32 $0x12, v15;
	v21 =	vld.idx.msk [tilespmem:v21+s24+$0x0], $0xffff;
	v19 =	vmul.f32 v19, v19;
	v40 =	vmul.f32 v22, v22  }
0x63: {  	v15 =	vor.u32 $0x7, v15;
	v49 =	vld.idx.msk [tilespmem:v28+s23+$0x0], $0xffff;
	v48 =	vmul.f32 v25, v25;
	v17 =	vadd.f32 v37, v17  }
0x64: {  	v28 =	vld.idx.msk [tilespmem:v28+s24+$0x0], $0xffff;
	v20 =	vmul.f32 v22, v20;
	v50 =	vmul.f32 v16, v16;
	v19 =	vadd.f32 v40, v19  }
0x65: {  	v52 =	vld.idx.msk [tilespmem:v36+s23+$0x0], $0xffff;
	v51 =	vmul.f32 v32, v32;
	v35 =	vadd.f32 $0.0e+00, v35;
	v17 =	vadd.f32 v48, v17  }
0x66: {  	v54 =	vld.idx.msk [tilespmem:v36+s24+$0x0], $0xffff;
	v16 =	vmul.f32 v16, v25;
	v53 =	vmul.f32 v18, v18;
	v19 =	vadd.f32 v50, v19  }
0x67: {  	v59 =	vld.idx.msk [tilespmem:v38+s23+$0x0], $0xffff;
	v55 =	vmul.f32 v39, v39;
	v20 =	vadd.f32 v20, v35;
	v17 =	vadd.f32 v51, v17  }
0x68: {  	v18 =	vmul.f32 v18, v32;
	v56 =	vld.idx.msk [tilespmem:v15+s23+$0x0], $0xffff;
	v57 =	vmul.f32 v21, v21;
	v19 =	vadd.f32 v53, v19  }
0x69: {  	v15 =	vld.idx.msk [tilespmem:v15+s24+$0x0], $0xffff;
	v58 =	vmul.f32 v49, v49;
	v16 =	vadd.f32 v16, v20;
	v17 =	vadd.f32 v55, v17  }
0x6a: {  	v62 =	vld.idx.msk [tilespmem:v31+s23+$0x0], $0xffff;
	v21 =	vmul.f32 v21, v39;
	v60 =	vmul.f32 v28, v28;
	v19 =	vadd.f32 v57, v19  }
0x6b: {  	v61 =	vmul.f32 v52, v52;
	v16 =	vadd.f32 v18, v16;
	v18 =	vld.idx.msk [tilespmem:v38+s24+$0x0], $0xffff;
	v17 =	vadd.f32 v58, v17  }
0x6c: {  	v22 =	vmul.f32 v28, v49;
	v63 =	vmul.f32 v54, v54;
	v40 =	vld.idx.msk [tilespmem:v33+s23+$0x0], $0xffff;
	v19 =	vadd.f32 v60, v19  }
0x6d: {  	v39 =	vmul.f32 v56, v56;
	v38 =	vld.idx.msk [tilespmem:v31+s24+$0x0], $0xffff;
	v16 =	vadd.f32 v21, v16;
	v17 =	vadd.f32 v61, v17  }
0x6e: {  	v42 =	vld.idx.msk [tilespmem:v33+s24+$0x0], $0xffff;
	v25 =	vmul.f32 v54, v52;
	v41 =	vmul.f32 v15, v15;
	v19 =	vadd.f32 v63, v19  }
0x6f: {  	v44 =	vld.idx.msk [tilespmem:v34+s23+$0x0], $0xffff;
	v43 =	vmul.f32 v59, v59;
	v16 =	vadd.f32 v22, v16;
	v17 =	vadd.f32 v39, v17  }
0x70: {  	v46 =	vld.idx.msk [tilespmem:v34+s24+$0x0], $0xffff;
	v47 =	vmul.f32 v62, v62;
	v45 =	vmul.f32 v18, v18;
	v19 =	vadd.f32 v41, v19  }
0x71: {  	v48 =	vld.idx.msk [tilespmem:v29+s23+$0x0], $0xffff;
	v15 =	vmul.f32 v15, v56;
	v16 =	vadd.f32 v25, v16;
	v17 =	vadd.f32 v43, v17  }
0x72: {  	v54 =	vld.idx.msk [tilespmem:v24+s23+$0x0], $0xffff;
	v50 =	vmul.f32 v40, v40;
	v49 =	vmul.f32 v38, v38;
	v19 =	vadd.f32 v45, v19  }
0x73: {  	v18 =	vmul.f32 v18, v59;
	v15 =	vadd.f32 v15, v16;
	v16 =	vld.idx.msk [tilespmem:v29+s24+$0x0], $0xffff;
	v17 =	vadd.f32 v47, v17  }
0x74: {  	v52 =	vmul.f32 v42, v42;
	v51 =	vld.idx.msk [tilespmem:v30+s23+$0x0], $0xffff;
	v53 =	vmul.f32 v44, v44;
	v19 =	vadd.f32 v49, v19  }
0x75: {  	v21 =	vmul.f32 v38, v62;
	v15 =	vadd.f32 v18, v15;
	v18 =	vld.idx.msk [tilespmem:v30+s24+$0x0], $0xffff;
	v17 =	vadd.f32 v50, v17  }
0x76: {  	v56 =	vld.idx.msk [tilespmem:v24+s24+$0x0], $0xffff;
	v55 =	vmul.f32 v46, v46;
	v57 =	vmul.f32 v48, v48;
	v19 =	vadd.f32 v52, v19  }
0x77: {  	v22 =	vmul.f32 v42, v40;
	v59 =	vld.idx.msk [tilespmem:v26+s23+$0x0], $0xffff;
	v15 =	vadd.f32 v21, v15;
	v17 =	vadd.f32 v53, v17  }
0x78: {  	v58 =	vmul.f32 v46, v44;
	v60 =	vmul.f32 v16, v16;
	v19 =	vadd.f32 v55, v19  }
0x79: {  	v61 =	vld.idx.msk [tilespmem:v26+s24+$0x0], $0xffff;
	v62 =	vmul.f32 v51, v51;
	v15 =	vadd.f32 v22, v15;
	v17 =	vadd.f32 v57, v17  }
0x7a: {  	v34 =	vmul.f32 v54, v54;
	v63 =	vld.idx.msk [tilespmem:v27+s23+$0x0], $0xffff;
	v32 =	vmul.f32 v18, v18;
	v19 =	vadd.f32 v60, v19  }
0x7b: {  	v33 =	vld.idx.msk [tilespmem:v27+s24+$0x0], $0xffff;
	v16 =	vmul.f32 v16, v48;
	v15 =	vadd.f32 v58, v15;
	v17 =	vadd.f32 v62, v17  }
0x7c: {  	v35 =	vld.idx.msk [tilespmem:v23+s23+$0x0], $0xffff;
	v36 =	vmul.f32 v56, v56;
	v37 =	vmul.f32 v59, v59;
	v19 =	vadd.f32 v32, v19  }
0x7d: {  	v18 =	vmul.f32 v18, v51;
	v15 =	vadd.f32 v16, v15;
	v16 =	vld.idx.msk [tilespmem:v23+s24+$0x0], $0xffff;
	v17 =	vadd.f32 v34, v17  }
0x7e: {  	v38 =	vld.idx.msk [tilespmem:v14+s23+$0x0], $0xffff;
	v39 =	vmul.f32 v61, v61;
	v21 =	vmul.f32 v56, v54;
	v19 =	vadd.f32 v36, v19  }
0x7f: {  	v14 =	vld.idx.msk [tilespmem:v14+s24+$0x0], $0xffff;
	v15 =	vadd.f32 v18, v15;
	v18 =	vmul.f32 v63, v63;
	v17 =	vadd.f32 v37, v17  }
0x80: {  	v42 =	vmul.f32 v33, v33;
	v41 =	vld.idx.msk [tilespmem:v13+s23+$0x0], $0xffff;
	v40 =	vmul.f32 v61, v59;
	v19 =	vadd.f32 v39, v19  }
0x81: {  	v13 =	vld.idx.msk [tilespmem:v13+s24+$0x0], $0xffff;
	v15 =	vadd.f32 v21, v15;
	v17 =	vadd.f32 v18, v17;
	v18 =	vmul.f32 v35, v35  }
0x82: {  	v44 =	vld.idx.msk [tilespmem:v12+s23+$0x0], $0xffff;
	v43 =	vmul.f32 v33, v63;
	v45 =	vmul.f32 v16, v16;
	v19 =	vadd.f32 v42, v19  }
0x83: {  	v12 =	vld.idx.msk [tilespmem:v12+s24+$0x0], $0xffff;
	v15 =	vadd.f32 v40, v15;
	v17 =	vadd.f32 v18, v17;
	v18 =	vmul.f32 v38, v38  }
0x84: {  	v46 =	vld.idx.msk [tilespmem:v11+s23+$0x0], $0xffff;
	v47 =	vmul.f32 v14, v14;
	v16 =	vmul.f32 v16, v35;
	v19 =	vadd.f32 v45, v19  }
0x85: {  	v11 =	vld.idx.msk [tilespmem:v11+s24+$0x0], $0xffff;
	v15 =	vadd.f32 v43, v15;
	v17 =	vadd.f32 v18, v17;
	v18 =	vmul.f32 v41, v41  }
0x86: {  	v14 =	vmul.f32 v14, v38;
	v49 =	vmul.f32 v13, v13;
	v48 =	vld.idx.msk [tilespmem:v10+s23+$0x0], $0xffff;
	v19 =	vadd.f32 v47, v19  }
0x87: {  	v10 =	vld.idx.msk [tilespmem:v10+s24+$0x0], $0xffff;
	v15 =	vadd.f32 v16, v15;
	v16 =	vadd.f32 v18, v17;
	v17 =	vmul.f32 v44, v44  }
0x88: {  	v13 =	vmul.f32 v13, v41;
	v50 =	vmul.f32 v12, v12;
	v18 =	vld.idx.msk [tilespmem:v9+s23+$0x0], $0xffff;
	v19 =	vadd.f32 v49, v19  }
0x89: {  	v14 =	vadd.f32 v14, v15;
	v9 =	vld.idx.msk [tilespmem:v9+s24+$0x0], $0xffff;
	v15 =	vadd.f32 v17, v16;
	v16 =	vmul.f32 v46, v46  }
0x8a: {  	v12 =	vmul.f32 v12, v44;
	v51 =	vmul.f32 v11, v11;
	v17 =	vld.idx.msk [tilespmem:v8+s23+$0x0], $0xffff;
	v19 =	vadd.f32 v50, v19  }
0x8b: {  	v13 =	vadd.f32 v13, v14;
	v8 =	vld.idx.msk [tilespmem:v8+s24+$0x0], $0xffff;
	v14 =	vadd.f32 v16, v15;
	v15 =	vmul.f32 v48, v48  }
0x8c: {  	v11 =	vmul.f32 v11, v46;
	v52 =	vmul.f32 v10, v10;
	v16 =	vld.idx.msk [tilespmem:v7+s23+$0x0], $0xffff;
	v19 =	vadd.f32 v51, v19  }
0x8d: {  	v12 =	vadd.f32 v12, v13;
	v7 =	vld.idx.msk [tilespmem:v7+s24+$0x0], $0xffff;
	v13 =	vadd.f32 v15, v14;
	v14 =	vmul.f32 v18, v18  }
0x8e: {  	v10 =	vmul.f32 v10, v48;
	v53 =	vmul.f32 v9, v9;
	v15 =	vld.idx.msk [tilespmem:v6+s23+$0x0], $0xffff;
	v19 =	vadd.f32 v52, v19  }
0x8f: {  	v11 =	vadd.f32 v11, v12;
	v6 =	vld.idx.msk [tilespmem:v6+s24+$0x0], $0xffff;
	v12 =	vadd.f32 v14, v13;
	v13 =	vmul.f32 v17, v17  }
0x90: {  	v9 =	vmul.f32 v9, v18;
	v14 =	vld.idx.msk [tilespmem:v5+s23+$0x0], $0xffff;
	v18 =	vadd.f32 v53, v19;
	v19 =	vmul.f32 v8, v8  }
0x91: {  	v10 =	vadd.f32 v10, v11;
	v5 =	vld.idx.msk [tilespmem:v5+s24+$0x0], $0xffff;
	v54 =	vadd.f32 v13, v12;
	v12 =	vmul.f32 v16, v16  }
0x92: {  	v8 =	vmul.f32 v8, v17;
	v13 =	vld.idx.msk [tilespmem:v4+s23+$0x0], $0xffff;
	v17 =	vadd.f32 v19, v18;
	v18 =	vmul.f32 v7, v7  }
0x93: {  	v9 =	vadd.f32 v9, v10;
	v4 =	vld.idx.msk [tilespmem:v4+s24+$0x0], $0xffff;
	v56 =	vmul.f32 v15, v15;
	v55 =	vadd.f32 v12, v54  }
0x94: {  	v7 =	vmul.f32 v7, v16;
	v12 =	vld.idx.msk [tilespmem:v3+s23+$0x0], $0xffff;
	v16 =	vadd.f32 v18, v17;
	v17 =	vmul.f32 v6, v6  }
0x95: {  	v57 =	vld.idx.msk [tilespmem:v3+s24+$0x0], $0xffff;
	v8 =	vadd.f32 v8, v9;
	v58 =	vmul.f32 v14, v14;
	v3 =	vadd.f32 v56, v55  }
0x96: {  	v59 =	vld.idx.msk [tilespmem:v2+s23+$0x0], $0xffff;
	v6 =	vmul.f32 v6, v15;
	v15 =	vadd.f32 v17, v16;
	v16 =	vmul.f32 v5, v5  }
0x97: {  	v7 =	vadd.f32 v7, v8;
	v8 =	vld.idx.msk [tilespmem:v2+s24+$0x0], $0xffff;
	v17 =	vmul.f32 v13, v13;
	v10 =	vadd.f32 v58, v3  }
0x98: {  	v5 =	vmul.f32 v5, v14;
	v3 =	vld.idx.msk [tilespmem:v1+s23+$0x0], $0xffff;
	v14 =	vadd.f32 v16, v15;
	v15 =	vmul.f32 v4, v4  }
0x99: {  	v2 =	vld.idx.msk [tilespmem:v1+s24+$0x0], $0xffff;
	v6 =	vadd.f32 v6, v7;
	v7 =	vmul.f32 v12, v12;
	v1 =	vadd.f32 v17, v10  }
0x9a: {  	v4 =	vmul.f32 v4, v13;
	v13 =	vmul.f32 v57, v57;
	v60 =	vadd.f32 v15, v14  }
0x9b: {  	v5 =	vadd.f32 v5, v6;
	v6 =	vmul.f32 v59, v59;
	v1 =	vadd.f32 v7, v1  }
0x9c: {  	v62 =	vmul.f32 v8, v8;
	v7 =	vmul.f32 v57, v12;
	v61 =	vadd.f32 v13, v60  }
0x9d: {  	v4 =	vadd.f32 v4, v5;
	v5 =	vmul.f32 v3, v3;
	v1 =	vadd.f32 v6, v1  }
0x9e: {  	v63 =	vmul.f32 v2, v2;
	v6 =	vadd.f32 v62, v61  }
0x9f: {  	s30 =	simm.s32 $0x10;
	v8 =	vmul.f32 v8, v59;
	v4 =	vadd.f32 v7, v4;
	v5 =	vadd.f32 v5, v1  }
0xa0: {  	v6 =	vadd.f32 v63, v6;
	v1 =	vmov s30  }
0xa1: {  	v4 =	vadd.f32 v8, v4;
	v1 =	vshll.u32 v1, $0x5;
	v7 =	vmin.f32 v5, $1.000000000e+00  }
0xa2: {  	v8 =	vmin.f32 v6, $1.000000000e+00;
	v1 =	vor.u32 v0, v1;
	v6 =	vmul.f32 v6, v5  }
0xa3: {  	s29 =	simm.s32 $0x20;
	s28 =	simm.s32 $0x8400;
	s26 =	simm.s32 $0x8400;
	v5 =	vmul.f32 v8, v7;
	v16 =	vor.u32 $0x1, v1;
	v15 =	vor.u32 $0x2, v1  }
.LBB2_2:
0xa4: {  	p0 =	sne.s32 s29, $0x1F0  }
0xa5: {  	v7 =	vshrl.u32 v5, $0x1;
	v8 =	vmul.f32 $5.000000000e-01, v5;
	s26 =	sadd.s32 $0x10, s26;
	s30 =	smov.u32 s29;
	s29 =	sadd.s32 $0x10, s29  }
0xa6: {  	v7 =	vsub.s32 $0x5F3759DF, v7  }
0xa7: {  	v9 =	vmul.f32 v7, v8  }
0xa8: {  	v10 =	vshrl.u32 v6, $0x1;
	v6 =	vmul.f32 $5.000000000e-01, v6  }
0xa9: {  	v10 =	vsub.s32 $0x5F3759DF, v10;
	v9 =	vmul.f32 v7, v9  }
0xaa: {  	v11 =	vmul.f32 v10, v6  }
0xab: {  	v9 =	vsub.f32 $1.500000000e+00, v9  }
0xac: {  	v11 =	vmul.f32 v10, v11  }
0xad: {  	v7 =	vmul.f32 v7, v9  }
0xae: {  	v9 =	vsub.f32 $1.500000000e+00, v11  }
0xaf: {  	v11 =	vmul.f32 v7, v8  }
0xb0: {  	v9 =	vmul.f32 v10, v9  }
0xb1: {  	v10 =	vmul.f32 v11, v7  }
0xb2: {  	v11 =	vmul.f32 v9, v6  }
0xb3: {  	v10 =	vsub.f32 $1.500000000e+00, v10  }
0xb4: {  	v11 =	vmul.f32 v11, v9  }
0xb5: {  	v7 =	vmul.f32 v10, v7  }
0xb6: {  	v10 =	vsub.f32 $1.500000000e+00, v11  }
0xb7: {  	v8 =	vmul.f32 v7, v8  }
0xb8: {  	v9 =	vmul.f32 v10, v9  }
0xb9: {  	v8 =	vmul.f32 v8, v7  }
0xba: {  	v6 =	vmul.f32 v9, v6  }
0xbb: {  	v8 =	vsub.f32 $1.500000000e+00, v8  }
0xbc: {  	v6 =	vmul.f32 v6, v9  }
0xbd: {  	v7 =	vmul.f32 v8, v7  }
0xbe: {  	v2 =	vmul.f32 v2, v3;
	v3 =	vsub.f32 $1.500000000e+00, v6  }
0xbf: {  	v6 =	vmul.f32 v7, v5  }
0xc0: {  	v2 =	vadd.f32 v2, v4;
	v3 =	vmul.f32 v3, v9  }
0xc1: {  	v4 =	vmul.f32 $1.000000000e+08, v6  }
0xc2: {  	vm0 =	vlt.f32 v5, $1.000000020e-16;
	v2 =	vmul.f32 v3, v2  }
0xc3: {  	v3 =	vnsel vm0, $0x3F800000, v4  }
0xc4: {  	v2 =	vmul.f32 v3, v2;
	_ =	sdelay $0x1  }
0xc5: {  	v2 =	vadd.f32 v2, v2;
	_ =	sdelay $0x1  }
0xc6: {  	v7 =	vadd.f32 $3.000000000e+00, v2  }
0xc7: {  	v3 =	vor.u32 $0x1E, v1;
	v2 =	vor.u32 $0x1F, v1  }
0xc8: {  	v5 =	vor.u32 $0x1C, v1;
	v6 =	vor.u32 $0x1B, v1;
	v4 =	vor.u32 $0x1D, v1;
	[tilespmem:s28+$0x0] =	vst v7;
	s28 =	smov.u32 s26  }
0xc9: {  	v8 =	vor.u32 $0x19, v1;
	v9 =	vor.u32 $0x18, v1;
	v7 =	vor.u32 $0x1A, v1;
	v20 =	vld.idx.msk [tilespmem:v1+s23+$0x0], $0xffff  }
0xca: {  	v22 =	vor.u32 $0x3, v1;
	v11 =	vor.u32 $0x16, v1;
	v10 =	vor.u32 $0x17, v1;
	v21 =	vld.idx.msk [tilespmem:v1+s24+$0x0], $0xffff  }
0xcb: {  	v14 =	vor.u32 $0x13, v1;
	v13 =	vor.u32 $0x14, v1;
	v12 =	vor.u32 $0x15, v1;
	v23 =	vld.idx.msk [tilespmem:v16+s23+$0x0], $0xffff  }
0xcc: {  	v25 =	vor.u32 $0x4, v1;
	v17 =	vor.u32 $0x11, v1;
	v24 =	vld.idx.msk [tilespmem:v16+s24+$0x0], $0xffff;
	v16 =	vor.u32 $0x12, v1  }
0xcd: {  	v27 =	vor.u32 $0xE, v1;
	v19 =	vor.u32 $0xF, v1;
	v18 =	vor.u32 $0x10, v1;
	v26 =	vld.idx.msk [tilespmem:v15+s23+$0x0], $0xffff  }
0xce: {  	v28 =	vor.u32 $0x5, v1;
	v29 =	vor.u32 $0xC, v1;
	v30 =	vor.u32 $0xD, v1;
	v15 =	vld.idx.msk [tilespmem:v15+s24+$0x0], $0xffff  }
0xcf: {  	v32 =	vor.u32 $0x9, v1;
	v33 =	vor.u32 $0xA, v1;
	v34 =	vor.u32 $0xB, v1;
	v31 =	vld.idx.msk [tilespmem:v22+s23+$0x0], $0xffff  }
0xd0: {  	v36 =	vor.u32 $0x6, v1;
	v37 =	vor.u32 $0x8, v1;
	v35 =	vmul.f32 v21, v20;
	v22 =	vld.idx.msk [tilespmem:v22+s24+$0x0], $0xffff  }
0xd1: {  	v1 =	vor.u32 $0x7, v1;
	v20 =	vmul.f32 v20, v20;
	v38 =	vmul.f32 v23, v23;
	v39 =	vld.idx.msk [tilespmem:v25+s23+$0x0], $0xffff  }
0xd2: {  	v21 =	vmul.f32 v21, v21;
	v35 =	vadd.f32 $0.0e+00, v35;
	v40 =	vmul.f32 v24, v24;
	v25 =	vld.idx.msk [tilespmem:v25+s24+$0x0], $0xffff  }
0xd3: {  	v23 =	vmul.f32 v24, v23;
	v20 =	vadd.f32 v38, v20;
	v24 =	vmul.f32 v26, v26;
	v38 =	vld.idx.msk [tilespmem:v28+s23+$0x0], $0xffff  }
0xd4: {  	v21 =	vadd.f32 v40, v21;
	v26 =	vmul.f32 v15, v26;
	v15 =	vmul.f32 v15, v15;
	v28 =	vld.idx.msk [tilespmem:v28+s24+$0x0], $0xffff  }
0xd5: {  	v23 =	vadd.f32 v23, v35;
	v20 =	vadd.f32 v24, v20;
	v24 =	vmul.f32 v31, v31;
	v35 =	vld.idx.msk [tilespmem:v36+s23+$0x0], $0xffff  }
0xd6: {  	v15 =	vadd.f32 v15, v21;
	v21 =	vmul.f32 v22, v31;
	v22 =	vmul.f32 v22, v22;
	v31 =	vld.idx.msk [tilespmem:v36+s24+$0x0], $0xffff  }
0xd7: {  	v23 =	vadd.f32 v26, v23;
	v20 =	vadd.f32 v24, v20;
	v24 =	vmul.f32 v39, v39;
	v26 =	vld.idx.msk [tilespmem:v1+s23+$0x0], $0xffff  }
0xd8: {  	v15 =	vadd.f32 v22, v15;
	v22 =	vmul.f32 v25, v39;
	v25 =	vmul.f32 v25, v25;
	v1 =	vld.idx.msk [tilespmem:v1+s24+$0x0], $0xffff  }
0xd9: {  	v21 =	vadd.f32 v21, v23;
	v20 =	vadd.f32 v24, v20;
	v23 =	vmul.f32 v38, v38;
	v24 =	vld.idx.msk [tilespmem:v37+s23+$0x0], $0xffff  }
0xda: {  	v15 =	vadd.f32 v25, v15;
	v25 =	vmul.f32 v28, v38;
	v28 =	vmul.f32 v28, v28;
	v36 =	vld.idx.msk [tilespmem:v37+s24+$0x0], $0xffff  }
0xdb: {  	v21 =	vadd.f32 v22, v21;
	v20 =	vadd.f32 v23, v20;
	v22 =	vmul.f32 v35, v35;
	v23 =	vld.idx.msk [tilespmem:v32+s23+$0x0], $0xffff  }
0xdc: {  	v15 =	vadd.f32 v28, v15;
	v28 =	vmul.f32 v31, v35;
	v31 =	vmul.f32 v31, v31;
	v32 =	vld.idx.msk [tilespmem:v32+s24+$0x0], $0xffff  }
0xdd: {  	v21 =	vadd.f32 v25, v21;
	v20 =	vadd.f32 v22, v20;
	v22 =	vmul.f32 v26, v26;
	v25 =	vld.idx.msk [tilespmem:v33+s23+$0x0], $0xffff  }
0xde: {  	v15 =	vadd.f32 v31, v15;
	v26 =	vmul.f32 v1, v26;
	v1 =	vmul.f32 v1, v1;
	v31 =	vld.idx.msk [tilespmem:v33+s24+$0x0], $0xffff  }
0xdf: {  	v21 =	vadd.f32 v28, v21;
	v20 =	vadd.f32 v22, v20;
	v22 =	vmul.f32 v24, v24;
	v28 =	vld.idx.msk [tilespmem:v34+s23+$0x0], $0xffff  }
0xe0: {  	v1 =	vadd.f32 v1, v15;
	v15 =	vmul.f32 v36, v24;
	v24 =	vmul.f32 v36, v36;
	v33 =	vld.idx.msk [tilespmem:v34+s24+$0x0], $0xffff  }
0xe1: {  	v21 =	vadd.f32 v26, v21;
	v20 =	vadd.f32 v22, v20;
	v22 =	vmul.f32 v23, v23;
	v26 =	vld.idx.msk [tilespmem:v29+s23+$0x0], $0xffff  }
0xe2: {  	v1 =	vadd.f32 v24, v1;
	v23 =	vmul.f32 v32, v23;
	v24 =	vmul.f32 v32, v32;
	v29 =	vld.idx.msk [tilespmem:v29+s24+$0x0], $0xffff  }
0xe3: {  	v15 =	vadd.f32 v15, v21;
	v20 =	vadd.f32 v22, v20;
	v21 =	vmul.f32 v25, v25;
	v22 =	vld.idx.msk [tilespmem:v30+s23+$0x0], $0xffff  }
0xe4: {  	v1 =	vadd.f32 v24, v1;
	v24 =	vmul.f32 v31, v25;
	v25 =	vmul.f32 v31, v31;
	v30 =	vld.idx.msk [tilespmem:v30+s24+$0x0], $0xffff  }
0xe5: {  	v15 =	vadd.f32 v23, v15;
	v20 =	vadd.f32 v21, v20;
	v21 =	vmul.f32 v28, v28;
	v23 =	vld.idx.msk [tilespmem:v27+s23+$0x0], $0xffff  }
0xe6: {  	v1 =	vadd.f32 v25, v1;
	v25 =	vmul.f32 v33, v28;
	v28 =	vmul.f32 v33, v33;
	v27 =	vld.idx.msk [tilespmem:v27+s24+$0x0], $0xffff  }
0xe7: {  	v15 =	vadd.f32 v24, v15;
	v20 =	vadd.f32 v21, v20;
	v21 =	vmul.f32 v26, v26;
	v24 =	vld.idx.msk [tilespmem:v19+s23+$0x0], $0xffff  }
0xe8: {  	v1 =	vadd.f32 v28, v1;
	v26 =	vmul.f32 v29, v26;
	v28 =	vmul.f32 v29, v29;
	v19 =	vld.idx.msk [tilespmem:v19+s24+$0x0], $0xffff  }
0xe9: {  	v15 =	vadd.f32 v25, v15;
	v20 =	vadd.f32 v21, v20;
	v21 =	vmul.f32 v22, v22;
	v25 =	vld.idx.msk [tilespmem:v18+s23+$0x0], $0xffff  }
0xea: {  	v1 =	vadd.f32 v28, v1;
	v22 =	vmul.f32 v30, v22;
	v28 =	vmul.f32 v30, v30;
	v18 =	vld.idx.msk [tilespmem:v18+s24+$0x0], $0xffff  }
0xeb: {  	v15 =	vadd.f32 v26, v15;
	v20 =	vadd.f32 v21, v20;
	v21 =	vmul.f32 v23, v23;
	v26 =	vld.idx.msk [tilespmem:v17+s23+$0x0], $0xffff  }
0xec: {  	v1 =	vadd.f32 v28, v1;
	v23 =	vmul.f32 v27, v23;
	v27 =	vmul.f32 v27, v27;
	v17 =	vld.idx.msk [tilespmem:v17+s24+$0x0], $0xffff  }
0xed: {  	v15 =	vadd.f32 v22, v15;
	v20 =	vadd.f32 v21, v20;
	v21 =	vmul.f32 v24, v24;
	v22 =	vld.idx.msk [tilespmem:v16+s23+$0x0], $0xffff  }
0xee: {  	v1 =	vadd.f32 v27, v1;
	v24 =	vmul.f32 v19, v24;
	v19 =	vmul.f32 v19, v19;
	v16 =	vld.idx.msk [tilespmem:v16+s24+$0x0], $0xffff  }
0xef: {  	v15 =	vadd.f32 v23, v15;
	v20 =	vadd.f32 v21, v20;
	v21 =	vmul.f32 v25, v25;
	v23 =	vld.idx.msk [tilespmem:v14+s23+$0x0], $0xffff  }
0xf0: {  	v1 =	vadd.f32 v19, v1;
	v19 =	vmul.f32 v18, v25;
	v18 =	vmul.f32 v18, v18;
	v14 =	vld.idx.msk [tilespmem:v14+s24+$0x0], $0xffff  }
0xf1: {  	v15 =	vadd.f32 v24, v15;
	v20 =	vadd.f32 v21, v20;
	v21 =	vmul.f32 v26, v26;
	v24 =	vld.idx.msk [tilespmem:v13+s23+$0x0], $0xffff  }
0xf2: {  	v1 =	vadd.f32 v18, v1;
	v18 =	vmul.f32 v17, v26;
	v17 =	vmul.f32 v17, v17;
	v13 =	vld.idx.msk [tilespmem:v13+s24+$0x0], $0xffff  }
0xf3: {  	v15 =	vadd.f32 v19, v15;
	v19 =	vadd.f32 v21, v20;
	v20 =	vmul.f32 v22, v22;
	v21 =	vld.idx.msk [tilespmem:v12+s23+$0x0], $0xffff  }
0xf4: {  	v1 =	vadd.f32 v17, v1;
	v17 =	vmul.f32 v16, v22;
	v16 =	vmul.f32 v16, v16;
	v12 =	vld.idx.msk [tilespmem:v12+s24+$0x0], $0xffff  }
0xf5: {  	v15 =	vadd.f32 v18, v15;
	v18 =	vadd.f32 v20, v19;
	v19 =	vmul.f32 v23, v23;
	v20 =	vld.idx.msk [tilespmem:v11+s23+$0x0], $0xffff  }
0xf6: {  	v1 =	vadd.f32 v16, v1;
	v16 =	vmul.f32 v14, v23;
	v14 =	vmul.f32 v14, v14;
	v11 =	vld.idx.msk [tilespmem:v11+s24+$0x0], $0xffff  }
0xf7: {  	v15 =	vadd.f32 v17, v15;
	v17 =	vadd.f32 v19, v18;
	v18 =	vmul.f32 v24, v24;
	v19 =	vld.idx.msk [tilespmem:v10+s23+$0x0], $0xffff  }
0xf8: {  	v1 =	vadd.f32 v14, v1;
	v14 =	vmul.f32 v13, v24;
	v13 =	vmul.f32 v13, v13;
	v10 =	vld.idx.msk [tilespmem:v10+s24+$0x0], $0xffff  }
0xf9: {  	v15 =	vadd.f32 v16, v15;
	v16 =	vadd.f32 v18, v17;
	v17 =	vmul.f32 v21, v21;
	v18 =	vld.idx.msk [tilespmem:v9+s23+$0x0], $0xffff  }
0xfa: {  	v1 =	vadd.f32 v13, v1;
	v13 =	vmul.f32 v12, v21;
	v12 =	vmul.f32 v12, v12;
	v9 =	vld.idx.msk [tilespmem:v9+s24+$0x0], $0xffff  }
0xfb: {  	v14 =	vadd.f32 v14, v15;
	v15 =	vadd.f32 v17, v16;
	v16 =	vmul.f32 v20, v20;
	v17 =	vld.idx.msk [tilespmem:v8+s23+$0x0], $0xffff  }
0xfc: {  	v1 =	vadd.f32 v12, v1;
	v12 =	vmul.f32 v11, v20;
	v11 =	vmul.f32 v11, v11;
	v8 =	vld.idx.msk [tilespmem:v8+s24+$0x0], $0xffff  }
0xfd: {  	v13 =	vadd.f32 v13, v14;
	v14 =	vadd.f32 v16, v15;
	v15 =	vmul.f32 v19, v19;
	v16 =	vld.idx.msk [tilespmem:v7+s23+$0x0], $0xffff  }
0xfe: {  	v1 =	vadd.f32 v11, v1;
	v11 =	vmul.f32 v10, v19;
	v10 =	vmul.f32 v10, v10;
	v7 =	vld.idx.msk [tilespmem:v7+s24+$0x0], $0xffff  }
0xff: {  	v12 =	vadd.f32 v12, v13;
	v13 =	vadd.f32 v15, v14;
	v14 =	vmul.f32 v18, v18;
	v15 =	vld.idx.msk [tilespmem:v6+s23+$0x0], $0xffff  }
0x100: {  	v1 =	vadd.f32 v10, v1;
	v10 =	vmul.f32 v9, v18;
	v9 =	vmul.f32 v9, v9;
	v6 =	vld.idx.msk [tilespmem:v6+s24+$0x0], $0xffff  }
0x101: {  	v11 =	vadd.f32 v11, v12;
	v12 =	vadd.f32 v14, v13;
	v13 =	vmul.f32 v17, v17;
	v14 =	vld.idx.msk [tilespmem:v5+s23+$0x0], $0xffff  }
0x102: {  	v1 =	vadd.f32 v9, v1;
	v9 =	vmul.f32 v8, v17;
	v8 =	vmul.f32 v8, v8;
	v5 =	vld.idx.msk [tilespmem:v5+s24+$0x0], $0xffff  }
0x103: {  	v10 =	vadd.f32 v10, v11;
	v11 =	vadd.f32 v13, v12;
	v12 =	vmul.f32 v16, v16;
	v13 =	vld.idx.msk [tilespmem:v4+s23+$0x0], $0xffff  }
0x104: {  	v1 =	vadd.f32 v8, v1;
	v8 =	vmul.f32 v7, v16;
	v7 =	vmul.f32 v7, v7;
	v4 =	vld.idx.msk [tilespmem:v4+s24+$0x0], $0xffff  }
0x105: {  	v9 =	vadd.f32 v9, v10;
	v10 =	vadd.f32 v12, v11;
	v11 =	vmul.f32 v15, v15;
	v12 =	vld.idx.msk [tilespmem:v3+s23+$0x0], $0xffff  }
0x106: {  	v1 =	vadd.f32 v7, v1;
	v7 =	vmul.f32 v6, v15;
	v6 =	vmul.f32 v6, v6;
	v15 =	vld.idx.msk [tilespmem:v3+s24+$0x0], $0xffff  }
0x107: {  	v8 =	vadd.f32 v8, v9;
	v9 =	vadd.f32 v11, v10;
	v10 =	vmul.f32 v14, v14;
	v3 =	vld.idx.msk [tilespmem:v2+s23+$0x0], $0xffff  }
0x108: {  	v1 =	vadd.f32 v6, v1;
	v6 =	vmul.f32 v5, v14;
	v5 =	vmul.f32 v5, v5;
	v2 =	vld.idx.msk [tilespmem:v2+s24+$0x0], $0xffff  }
0x109: {  	v7 =	vadd.f32 v7, v8;
	v8 =	vadd.f32 v10, v9;
	v9 =	vmul.f32 v13, v13  }
0x10a: {  	v1 =	vadd.f32 v5, v1;
	v5 =	vmul.f32 v4, v13;
	v4 =	vmul.f32 v4, v4  }
0x10b: {  	v6 =	vadd.f32 v6, v7;
	v7 =	vadd.f32 v9, v8;
	v8 =	vmul.f32 v12, v12  }
0x10c: {  	v1 =	vadd.f32 v4, v1;
	v4 =	vmul.f32 v15, v12;
	v9 =	vmul.f32 v15, v15  }
0x10d: {  	v5 =	vadd.f32 v5, v6;
	v6 =	vadd.f32 v8, v7;
	v7 =	vmul.f32 v3, v3  }
0x10e: {  	v1 =	vadd.f32 v9, v1;
	v8 =	vmul.f32 v2, v2  }
0x10f: {  	v4 =	vadd.f32 v4, v5;
	v5 =	vadd.f32 v7, v6  }
.Ltmp0:
0x110: {  	v6 =	vadd.f32 v8, v1;
	(pc) =	sbr.rel @p0 .LBB2_2-.Ltmp0, $4  }
0x111: {  	v1 =	vmov s30  }
0x112: {  	v1 =	vshll.u32 v1, $0x5;
	v7 =	vmin.f32 v5, $1.000000000e+00;
	v8 =	vmin.f32 v6, $1.000000000e+00  }
0x113: {  	v1 =	vor.u32 v0, v1;
	v6 =	vmul.f32 v6, v5;
	v5 =	vmul.f32 v8, v7  }
0x114: {  	v16 =	vor.u32 $0x1, v1;
	v15 =	vor.u32 $0x2, v1  }
0x115: {  	v7 =	vshrl.u32 v5, $0x1;
	v8 =	vmul.f32 $5.000000000e-01, v5  }
0x116: {  	v7 =	vsub.s32 $0x5F3759DF, v7  }
0x117: {  	v9 =	vmul.f32 v7, v8  }
0x118: {  	v10 =	vshrl.u32 v6, $0x1;
	v51 =	vmul.f32 $5.000000000e-01, v6  }
0x119: {  	v10 =	vsub.s32 $0x5F3759DF, v10;
	v9 =	vmul.f32 v7, v9  }
0x11a: {  	v11 =	vmul.f32 v10, v51  }
0x11b: {  	v9 =	vsub.f32 $1.500000000e+00, v9  }
0x11c: {  	v11 =	vmul.f32 v10, v11  }
0x11d: {  	v7 =	vmul.f32 v7, v9  }
0x11e: {  	v52 =	vsub.f32 $1.500000000e+00, v11  }
0x11f: {  	v53 =	vmul.f32 v7, v8  }
0x120: {  	v9 =	vmul.f32 v10, v52  }
0x121: {  	v54 =	vmul.f32 v53, v7  }
0x122: {  	v55 =	vmul.f32 v9, v51  }
0x123: {  	v10 =	vsub.f32 $1.500000000e+00, v54  }
0x124: {  	v11 =	vmul.f32 v55, v9  }
0x125: {  	v7 =	vmul.f32 v10, v7  }
0x126: {  	v56 =	vsub.f32 $1.500000000e+00, v11  }
0x127: {  	v8 =	vmul.f32 v7, v8  }
0x128: {  	v9 =	vmul.f32 v56, v9  }
0x129: {  	v8 =	vmul.f32 v8, v7  }
0x12a: {  	v6 =	vmul.f32 v9, v51  }
0x12b: {  	v8 =	vsub.f32 $1.500000000e+00, v8  }
0x12c: {  	v6 =	vmul.f32 v6, v9  }
0x12d: {  	v7 =	vmul.f32 v8, v7  }
0x12e: {  	v2 =	vmul.f32 v2, v3;
	v3 =	vsub.f32 $1.500000000e+00, v6  }
0x12f: {  	v57 =	vmul.f32 v7, v5  }
0x130: {  	v2 =	vadd.f32 v2, v4;
	v3 =	vmul.f32 v3, v9  }
0x131: {  	v58 =	vmul.f32 $1.000000000e+08, v57  }
0x132: {  	vm0 =	vlt.f32 v5, $1.000000020e-16;
	v2 =	vmul.f32 v3, v2  }
0x133: {  	v3 =	vnsel vm0, $0x3F800000, v58  }
0x134: {  	v2 =	vmul.f32 v3, v2;
	_ =	sdelay $0x1  }
0x135: {  	v2 =	vadd.f32 v2, v2;
	_ =	sdelay $0x1  }
0x136: {  	v2 =	vadd.f32 $3.000000000e+00, v2;
	_ =	sdelay $0x1  }
0x137: {  	[tilespmem:s28+$0x0] =	vst v2  }
0x138: {  	v8 =	vld.idx.msk [tilespmem:v1+s23+$0x0], $0xffff  }
0x139: {  	v3 =	vor.u32 $0x4, v1;
	v9 =	vld.idx.msk [tilespmem:v1+s24+$0x0], $0xffff  }
0x13a: {  	v19 =	vld.idx.msk [tilespmem:v16+s23+$0x0], $0xffff  }
0x13b: {  	v59 =	vor.u32 $0x5, v1;
	v16 =	vld.idx.msk [tilespmem:v16+s24+$0x0], $0xffff  }
0x13c: {  	v2 =	vor.u32 $0x3, v1;
	v20 =	vld.idx.msk [tilespmem:v15+s23+$0x0], $0xffff  }
0x13d: {  	v15 =	vld.idx.msk [tilespmem:v15+s24+$0x0], $0xffff  }
0x13e: {  	v26 =	vld.idx.msk [tilespmem:v3+s23+$0x0], $0xffff  }
0x13f: {  	v12 =	vor.u32 $0x7, v1;
	v27 =	vld.idx.msk [tilespmem:v3+s24+$0x0], $0xffff  }
0x140: {  	v28 =	vld.idx.msk [tilespmem:v59+s23+$0x0], $0xffff  }
0x141: {  	v18 =	vor.u32 $0x8, v1;
	v24 =	vld.idx.msk [tilespmem:v2+s23+$0x0], $0xffff  }
0x142: {  	v25 =	vld.idx.msk [tilespmem:v2+s24+$0x0], $0xffff;
	v2 =	vor.u32 $0x6, v1;
	v60 =	vmul.f32 v8, v8;
	v61 =	vmul.f32 v19, v19  }
0x143: {  	v29 =	vld.idx.msk [tilespmem:v59+s24+$0x0], $0xffff;
	v62 =	vmul.f32 v9, v9;
	v63 =	vmul.f32 v16, v16  }
0x144: {  	v32 =	vld.idx.msk [tilespmem:v12+s23+$0x0], $0xffff;
	v13 =	vmul.f32 v20, v20;
	v3 =	vadd.f32 v61, v60  }
0x145: {  	v39 =	vor.u32 $0x9, v1;
	v33 =	vld.idx.msk [tilespmem:v12+s24+$0x0], $0xffff;
	v17 =	vmul.f32 v15, v15;
	v14 =	vadd.f32 v63, v62  }
0x146: {  	v42 =	vor.u32 $0xA, v1;
	v21 =	vld.idx.msk [tilespmem:v18+s23+$0x0], $0xffff;
	v3 =	vadd.f32 v13, v3  }
0x147: {  	v36 =	vmul.f32 v24, v24;
	v30 =	vld.idx.msk [tilespmem:v2+s23+$0x0], $0xffff;
	v37 =	vadd.f32 v17, v14;
	v38 =	vmul.f32 v25, v25  }
0x148: {  	v41 =	vmul.f32 v27, v27;
	v31 =	vld.idx.msk [tilespmem:v2+s24+$0x0], $0xffff  }
0x149: {  	v34 =	vld.idx.msk [tilespmem:v18+s24+$0x0], $0xffff;
	v2 =	vadd.f32 v36, v3;
	v3 =	vmul.f32 v26, v26;
	v40 =	vadd.f32 v38, v37  }
0x14a: {  	v12 =	vor.u32 $0xB, v1;
	v22 =	vld.idx.msk [tilespmem:v39+s24+$0x0], $0xffff;
	v43 =	vmul.f32 v28, v28  }
0x14b: {  	v18 =	vld.idx.msk [tilespmem:v42+s23+$0x0], $0xffff;
	v44 =	vmul.f32 v29, v29;
	v3 =	vadd.f32 v3, v2;
	v4 =	vadd.f32 v41, v40  }
0x14c: {  	v35 =	vor.u32 $0x18, v1;
	v17 =	vld.idx.msk [tilespmem:v39+s23+$0x0], $0xffff;
	v39 =	vor.u32 $0x13, v1;
	v46 =	vmul.f32 v30, v30  }
0x14d: {  	v23 =	vld.idx.msk [tilespmem:v42+s24+$0x0], $0xffff;
	v47 =	vmul.f32 v31, v31;
	v45 =	vadd.f32 v43, v3;
	v4 =	vadd.f32 v44, v4  }
0x14e: {  	v49 =	vmul.f32 v32, v32;
	v50 =	vmul.f32 v33, v33;
	v13 =	vor.u32 $0xC, v1  }
0x14f: {  	v52 =	vmul.f32 v21, v21;
	v48 =	vadd.f32 v46, v45;
	v5 =	vadd.f32 v47, v4  }
0x150: {  	v10 =	vld.idx.msk [tilespmem:v12+s24+$0x0], $0xffff;
	v55 =	vmul.f32 v22, v22;
	v14 =	vor.u32 $0xD, v1;
	v37 =	vmul.f32 v34, v34  }
0x151: {  	v26 =	vmul.f32 v27, v26;
	v27 =	vld.idx.msk [tilespmem:v39+s23+$0x0], $0xffff;
	v51 =	vadd.f32 v49, v48;
	v11 =	vadd.f32 v50, v5  }
0x152: {  	v56 =	vmul.f32 v18, v18;
	v42 =	vmul.f32 v23, v23;
	v38 =	vor.u32 $0xE, v1;
	v4 =	vld.idx.msk [tilespmem:v12+s23+$0x0], $0xffff  }
0x153: {  	v53 =	vmul.f32 v17, v17;
	v5 =	vld.idx.msk [tilespmem:v13+s23+$0x0], $0xffff;
	v6 =	vadd.f32 v52, v51;
	v54 =	vadd.f32 v37, v11  }
0x154: {  	v9 =	vmul.f32 v9, v8;
	v16 =	vmul.f32 v16, v19;
	v40 =	vor.u32 $0xF, v1;
	v11 =	vld.idx.msk [tilespmem:v13+s24+$0x0], $0xffff  }
0x155: {  	v28 =	vmul.f32 v29, v28;
	v12 =	vld.idx.msk [tilespmem:v14+s24+$0x0], $0xffff;
	v7 =	vadd.f32 v53, v6;
	v37 =	vadd.f32 v55, v54  }
0x156: {  	v32 =	vmul.f32 v33, v32;
	v58 =	vmul.f32 v10, v10;
	v43 =	vor.u32 $0x10, v1;
	v6 =	vld.idx.msk [tilespmem:v14+s23+$0x0], $0xffff  }
0x157: {  	v13 =	vld.idx.msk [tilespmem:v38+s24+$0x0], $0xffff;
	v44 =	vmul.f32 v4, v4;
	v57 =	vadd.f32 v56, v7;
	v37 =	vadd.f32 v42, v37  }
0x158: {  	v21 =	vmul.f32 v34, v21;
	v45 =	vor.u32 $0x11, v1;
	v60 =	vmul.f32 v5, v5;
	v7 =	vld.idx.msk [tilespmem:v38+s23+$0x0], $0xffff  }
0x159: {  	v8 =	vld.idx.msk [tilespmem:v40+s23+$0x0], $0xffff;
	v61 =	vmul.f32 v11, v11;
	v59 =	vadd.f32 v44, v57;
	v37 =	vadd.f32 v58, v37  }
0x15a: {  	v46 =	vor.u32 $0x12, v1;
	v47 =	vadd.f32 $0.0e+00, v9;
	v48 =	vmul.f32 v12, v12;
	v14 =	vld.idx.msk [tilespmem:v40+s24+$0x0], $0xffff  }
0x15b: {  	v9 =	vld.idx.msk [tilespmem:v43+s23+$0x0], $0xffff;
	v62 =	vmul.f32 v6, v6;
	v38 =	vadd.f32 v60, v59;
	v63 =	vadd.f32 v61, v37  }
0x15c: {  	v49 =	vmul.f32 v15, v20;
	v15 =	vld.idx.msk [tilespmem:v43+s24+$0x0], $0xffff;
	v51 =	vadd.f32 v16, v47;
	v52 =	vmul.f32 v13, v13  }
0x15d: {  	v16 =	vld.idx.msk [tilespmem:v45+s23+$0x0], $0xffff;
	v50 =	vmul.f32 v7, v7;
	v38 =	vadd.f32 v62, v38;
	v37 =	vadd.f32 v48, v63  }
0x15e: {  	v25 =	vmul.f32 v25, v24;
	v41 =	vor.u32 $0x14, v1;
	v20 =	vld.idx.msk [tilespmem:v45+s24+$0x0], $0xffff;
	v54 =	vmul.f32 v8, v8  }
0x15f: {  	v19 =	vld.idx.msk [tilespmem:v46+s23+$0x0], $0xffff;
	v55 =	vmul.f32 v14, v14;
	v38 =	vadd.f32 v50, v38;
	v37 =	vadd.f32 v52, v37  }
0x160: {  	v24 =	vld.idx.msk [tilespmem:v46+s24+$0x0], $0xffff;
	v53 =	vor.u32 $0x15, v1;
	v42 =	vadd.f32 v49, v51;
	v56 =	vmul.f32 v9, v9  }
0x161: {  	v39 =	vld.idx.msk [tilespmem:v39+s24+$0x0], $0xffff;
	v57 =	vmul.f32 v15, v15;
	v38 =	vadd.f32 v54, v38;
	v37 =	vadd.f32 v55, v37  }
0x162: {  	v36 =	vor.u32 $0x16, v1;
	v25 =	vadd.f32 v25, v42;
	v59 =	vmul.f32 v16, v16  }
0x163: {  	v42 =	vld.idx.msk [tilespmem:v41+s23+$0x0], $0xffff;
	v60 =	vmul.f32 v20, v20;
	v38 =	vadd.f32 v56, v38;
	v37 =	vadd.f32 v57, v37  }
0x164: {  	v18 =	vmul.f32 v23, v18;
	v29 =	vld.idx.msk [tilespmem:v41+s24+$0x0], $0xffff;
	v58 =	vor.u32 $0x17, v1;
	v61 =	vmul.f32 v19, v19  }
0x165: {  	v45 =	vld.idx.msk [tilespmem:v53+s24+$0x0], $0xffff;
	v62 =	vmul.f32 v24, v24;
	v38 =	vadd.f32 v59, v38;
	v37 =	vadd.f32 v60, v37  }
0x166: {  	v30 =	vmul.f32 v31, v30;
	v47 =	vmul.f32 v39, v39;
	v25 =	vadd.f32 v26, v25;
	v26 =	vld.idx.msk [tilespmem:v53+s23+$0x0], $0xffff  }
0x167: {  	v31 =	vld.idx.msk [tilespmem:v36+s23+$0x0], $0xffff;
	v46 =	vmul.f32 v27, v27;
	v38 =	vadd.f32 v61, v38;
	v37 =	vadd.f32 v62, v37  }
0x168: {  	v63 =	vor.u32 $0x19, v1;
	v25 =	vadd.f32 v28, v25;
	v28 =	vld.idx.msk [tilespmem:v36+s24+$0x0], $0xffff;
	v49 =	vmul.f32 v42, v42  }
0x169: {  	v33 =	vld.idx.msk [tilespmem:v58+s23+$0x0], $0xffff;
	v50 =	vmul.f32 v29, v29;
	v48 =	vadd.f32 v46, v38;
	v37 =	vadd.f32 v47, v37  }
0x16a: {  	v51 =	vor.u32 $0x1A, v1;
	v44 =	vld.idx.msk [tilespmem:v58+s24+$0x0], $0xffff;
	v25 =	vadd.f32 v30, v25;
	v53 =	vmul.f32 v45, v45  }
0x16b: {  	v30 =	vld.idx.msk [tilespmem:v35+s23+$0x0], $0xffff;
	v52 =	vmul.f32 v26, v26;
	v36 =	vadd.f32 v49, v48;
	v37 =	vadd.f32 v50, v37  }
0x16c: {  	v34 =	vld.idx.msk [tilespmem:v35+s24+$0x0], $0xffff;
	v2 =	vor.u32 $0x1B, v1;
	v55 =	vmul.f32 v31, v31;
	v25 =	vadd.f32 v32, v25  }
0x16d: {  	v32 =	vld.idx.msk [tilespmem:v63+s23+$0x0], $0xffff;
	v56 =	vmul.f32 v28, v28;
	v54 =	vadd.f32 v52, v36;
	v37 =	vadd.f32 v53, v37  }
0x16e: {  	v17 =	vmul.f32 v22, v17;
	v3 =	vor.u32 $0x1C, v1;
	v43 =	vld.idx.msk [tilespmem:v63+s24+$0x0], $0xffff;
	v58 =	vmul.f32 v33, v33  }
0x16f: {  	v22 =	vld.idx.msk [tilespmem:v51+s23+$0x0], $0xffff;
	v59 =	vmul.f32 v44, v44;
	v35 =	vadd.f32 v55, v54;
	v37 =	vadd.f32 v56, v37  }
0x170: {  	v57 =	vor.u32 $0x1D, v1;
	v21 =	vadd.f32 v21, v25;
	v25 =	vld.idx.msk [tilespmem:v51+s24+$0x0], $0xffff;
	v60 =	vmul.f32 v30, v30  }
0x171: {  	v23 =	vld.idx.msk [tilespmem:v2+s23+$0x0], $0xffff;
	v61 =	vmul.f32 v34, v34;
	v35 =	vadd.f32 v58, v35;
	v37 =	vadd.f32 v59, v37  }
0x172: {  	v2 =	vld.idx.msk [tilespmem:v2+s24+$0x0], $0xffff;
	v17 =	vadd.f32 v17, v21;
	v62 =	vor.u32 $0x1E, v1;
	v63 =	vmul.f32 v32, v32  }
0x173: {  	v21 =	vld.idx.msk [tilespmem:v3+s23+$0x0], $0xffff;
	v46 =	vmul.f32 v43, v43;
	v35 =	vadd.f32 v60, v35;
	v37 =	vadd.f32 v61, v37  }
0x174: {  	v4 =	vmul.f32 v10, v4;
	v3 =	vld.idx.msk [tilespmem:v3+s24+$0x0], $0xffff;
	v1 =	vor.u32 $0x1F, v1;
	v47 =	vmul.f32 v22, v22  }
0x175: {  	v10 =	vld.idx.msk [tilespmem:v57+s23+$0x0], $0xffff;
	v48 =	vmul.f32 v25, v25;
	v35 =	vadd.f32 v63, v35;
	v37 =	vadd.f32 v46, v37  }
0x176: {  	v5 =	vmul.f32 v11, v5;
	v17 =	vadd.f32 v18, v17;
	v18 =	vld.idx.msk [tilespmem:v57+s24+$0x0], $0xffff;
	v49 =	vmul.f32 v23, v23  }
0x177: {  	v50 =	vmul.f32 v2, v2;
	v11 =	vld.idx.msk [tilespmem:v62+s23+$0x0], $0xffff;
	v35 =	vadd.f32 v47, v35;
	v37 =	vadd.f32 v48, v37  }
0x178: {  	v6 =	vmul.f32 v12, v6;
	v4 =	vadd.f32 v4, v17;
	v51 =	vmul.f32 v21, v21;
	v17 =	vld.idx.msk [tilespmem:v62+s24+$0x0], $0xffff  }
0x179: {  	v12 =	vld.idx.msk [tilespmem:v1+s23+$0x0], $0xffff;
	v52 =	vmul.f32 v3, v3;
	v35 =	vadd.f32 v49, v35;
	v37 =	vadd.f32 v50, v37  }
0x17a: {  	v4 =	vadd.f32 v5, v4;
	v1 =	vld.idx.msk [tilespmem:v1+s24+$0x0], $0xffff;
	v54 =	vmul.f32 v10, v10  }
0x17b: {  	v56 =	vmul.f32 v18, v18;
	v53 =	vadd.f32 v51, v35;
	v55 =	vadd.f32 v52, v37  }
0x17c: {  	v7 =	vmul.f32 v13, v7;
	v4 =	vadd.f32 v6, v4;
	v57 =	vmul.f32 v11, v11  }
0x17d: {  	v58 =	vmul.f32 v17, v17;
	v5 =	vadd.f32 v54, v53;
	v13 =	vadd.f32 v56, v55  }
0x17e: {  	v8 =	vmul.f32 v14, v8;
	v4 =	vadd.f32 v7, v4;
	v59 =	vmul.f32 v12, v12  }
0x17f: {  	v61 =	vmul.f32 v1, v1;
	v5 =	vadd.f32 v57, v5;
	v60 =	vadd.f32 v58, v13  }
0x180: {  	v4 =	vadd.f32 v8, v4  }
0x181: {  	v62 =	vmul.f32 v15, v9;
	v5 =	vadd.f32 v59, v5;
	v63 =	vadd.f32 v61, v60  }
0x182: {  	v16 =	vmul.f32 v20, v16  }
0x183: {  	v4 =	vadd.f32 v62, v4;
	v20 =	vmin.f32 v5, $1.000000000e+00;
	v35 =	vmin.f32 v63, $1.000000000e+00  }
0x184: {  	v8 =	vmul.f32 v35, v20  }
0x185: {  	v36 =	vmul.f32 v24, v19;
	v4 =	vadd.f32 v16, v4  }
0x186: {  	v37 =	vmul.f32 v39, v27;
	v38 =	vshrl.u32 v8, $0x1;
	v39 =	vmul.f32 $5.000000000e-01, v8  }
0x187: {  	v4 =	vadd.f32 v36, v4;
	v5 =	vmul.f32 v63, v5;
	v40 =	vsub.s32 $0x5F3759DF, v38  }
0x188: {  	v41 =	vmul.f32 v29, v42;
	v13 =	vmul.f32 v40, v39  }
0x189: {  	v4 =	vadd.f32 v37, v4;
	v42 =	vshrl.u32 v5, $0x1;
	v5 =	vmul.f32 $5.000000000e-01, v5  }
0x18a: {  	v7 =	vsub.s32 $0x5F3759DF, v42;
	v13 =	vmul.f32 v40, v13  }
0x18b: {  	v46 =	vmul.f32 v45, v26;
	v4 =	vadd.f32 v41, v4;
	v47 =	vmul.f32 v7, v5  }
0x18c: {  	v13 =	vsub.f32 $1.500000000e+00, v13  }
0x18d: {  	v48 =	vmul.f32 v28, v31;
	v4 =	vadd.f32 v46, v4;
	v9 =	vmul.f32 v7, v47  }
0x18e: {  	v6 =	vmul.f32 v40, v13  }
0x18f: {  	v49 =	vmul.f32 v44, v33;
	v4 =	vadd.f32 v48, v4;
	v9 =	vsub.f32 $1.500000000e+00, v9  }
0x190: {  	v50 =	vmul.f32 v6, v39  }
0x191: {  	v51 =	vmul.f32 v34, v30;
	v4 =	vadd.f32 v49, v4;
	v7 =	vmul.f32 v7, v9  }
0x192: {  	v52 =	vmul.f32 v50, v6  }
0x193: {  	v53 =	vmul.f32 v43, v32;
	v4 =	vadd.f32 v51, v4;
	v54 =	vmul.f32 v7, v5  }
0x194: {  	v9 =	vsub.f32 $1.500000000e+00, v52  }
0x195: {  	v55 =	vmul.f32 v25, v22;
	v4 =	vadd.f32 v53, v4;
	v56 =	vmul.f32 v54, v7  }
0x196: {  	v6 =	vmul.f32 v9, v6  }
0x197: {  	v2 =	vmul.f32 v2, v23;
	v4 =	vadd.f32 v55, v4;
	v57 =	vsub.f32 $1.500000000e+00, v56  }
0x198: {  	v58 =	vmul.f32 v6, v39  }
0x199: {  	v3 =	vmul.f32 v3, v21;
	v2 =	vadd.f32 v2, v4;
	v59 =	vmul.f32 v57, v7  }
0x19a: {  	v60 =	vmul.f32 v58, v6  }
0x19b: {  	v61 =	vmul.f32 v18, v10;
	v2 =	vadd.f32 v3, v2;
	v3 =	vmul.f32 v59, v5  }
0x19c: {  	v62 =	vsub.f32 $1.500000000e+00, v60  }
0x19d: {  	v63 =	vmul.f32 v17, v11;
	v2 =	vadd.f32 v61, v2;
	v3 =	vmul.f32 v3, v59  }
0x19e: {  	v5 =	vmul.f32 v62, v6  }
0x19f: {  	v1 =	vmul.f32 v1, v12;
	v2 =	vadd.f32 v63, v2;
	v3 =	vsub.f32 $1.500000000e+00, v3  }
0x1a0: {  	v5 =	vmul.f32 v5, v8  }
0x1a1: {  	v1 =	vadd.f32 v1, v2;
	v2 =	vmul.f32 v3, v59  }
0x1a2: {  	v3 =	vmul.f32 $1.000000000e+08, v5  }
0x1a3: {  	vm15 =	vlt.f32 v8, $1.000000020e-16;
	v1 =	vmul.f32 v2, v1  }
0x1a4: {  	v2 =	vnsel vm15, $0x3F800000, v3  }
0x1a5: {  	v1 =	vmul.f32 v2, v1;
	_ =	sdelay $0x1  }
0x1a6: {  	v1 =	vadd.f32 v1, v1;
	_ =	sdelay $0x1  }
0x1a7: {  	s25 =	sadd.s32 $0x1, s25;
	v1 =	vadd.f32 $3.000000000e+00, v1  }
0x1a8: {  	s26 =	sadd.s32 $0x10, s26;
	p0 =	sne.s32 s25, s14  }
.Ltmp1:
0x1a9: {  	[tilespmem:s26+$0x0] =	vst v1;
	(pc) =	sbr.rel @p0 .LBB2_1-.Ltmp1, $4  }
0x1aa: {  	[hbm4b:s13+s1] =	stream.linear.scatter [tilespmem:s2], [sflag:$0x2], $0x200, $0x38;
	[tilespmem:$0x8600] =	vst v63  }
0x1ab: {  	_ =	swait.ge [sflag:s15], $0x200  }
0x1ac: {  	[sflag:s15] =	ssyncset.done $0x0  }
0x1ad: {  	[sflag:s15] =	ssyncadd.s32 $0xFFFFFE00  }
0x1ae: {  	_ =	sfence.sel $0x180000  }
0x1af: {  	[bflag:$0x0] =	sbarrier.arrive $0xFFFF  }
0x1b0: {  	_ =	strace $0x90000047  }
0x1b1: {  	s0 =	stileid.u32;
	[bflag:$0x2] =	sbarrier.arrive $0xFFFF  }
0x1b2: {  	p0 =	sne.s32 s0, $0x0;
	s0 =	rddreg [dreg:$0x4]  }
0x1b3: {  	s0 =	sadd.s32 @!p0 $0x100000, s0  }
0x1b4: {  	[sflag:s0] =	ssyncadd.tile.s32 @!p0 $0x1;
	_ =	shalt  }
.Lfunc_end2:
_tile_overlayer_lowered:
.L_overlay_start_2:
0x1b5: {  	(tag) =	ssettag $0x2  }
0x1b6: {  	s0 =	rddreg [dreg:$0x0];
	s2 =	stileid.u32  }
0x1b7: {  	s1 =	rddreg [dreg:$0x1];
	p0 =	sne.s32 s2, $0x0  }
0x1b8: {  	s3 =	rddreg [dreg:$0x2];
	[bflag:$0x3] =	sbarrier.arrive $0xFFFF;
	s2 =	simm.s32 @!p0 $0x1C02  }
0x1b9: {  	[timem:s3], [sflag:s2] =	dma.local @!p0 [hbm:s0], s1  }
0x1ba: {  	s0 =	simm.s32 @!p0 $0x2  }
0x1bb: {  	_ =	swait.ge @!p0 [sflag:s0], s1  }
0x1bc: {  	s1 =	ssub.s32 @!p0 $0x0, s1;
	[sflag:s0] =	ssyncset.done @!p0 $0x0  }
0x1bd: {  	[sflag:s0] =	ssyncadd.s32 @!p0 s1  }
0x1be: {  	[bflag:$0x3] =	sbarrier.arrive $0xFFFF  }
0x1bf: {  	_ =	shalt  }

</sc_bundles>
